<compile_context>
chip_gen: v7x
topology: tpu7x:2x2x1
jax: 0.10.2.dev20260603
libtpu: 0.0.44.dev20260713+nightly
codegen_flags: <defaults>
</compile_context>

<pallas_src>
import functools

import jax
import jax.numpy as jnp
from jax import lax
from jax.experimental import pallas as pl
from jax.experimental.pallas import tpu as pltpu
from jax.experimental.pallas import tpu_sc as plsc

N = 10000
E = 320000
D = 128
NC = 2
NS = 16

EPC = E // NC
G = 128
EPB = 9984
NGRP = EPB // G
EXTRA = (EPC - NS * EPB) // G

ROWS_PT = 624
TAIL = N - ROWS_PT * NS


def _sc_agg_body(with_hist, nbuf, *refs):
    it = iter(refs)
    tbl_h = next(it)
    ei_h = next(it)
    agg_h = next(it)
    hists_h = next(it) if with_hist else None
    agg_sp = next(it)
    idxs = [next(it) for _ in range(nbuf)]
    rows = [next(it) for _ in range(nbuf)]
    hist = next(it) if with_hist else None
    isem = next(it)
    gsem = next(it)
    ssem = next(it)

    cid = lax.axis_index("c")
    sid = lax.axis_index("s")

    zeros16 = jnp.zeros((16,), jnp.float32)

    def zrow(i, c):
        for j in range(D // 16):
            rows[0][i, pl.ds(j * 16, 16)] = zeros16
        return c

    lax.fori_loop(0, G, zrow, 0)
    zb = sid * ROWS_PT
    for k in range(4):
        pltpu.sync_copy(rows[0], agg_sp.at[pl.ds(zb + k * G, G)])
    pltpu.sync_copy(rows[0].at[pl.ds(0, ROWS_PT - 512)],
                    agg_sp.at[pl.ds(zb + 512, ROWS_PT - 512)])

    @pl.when(sid == 0)
    def _():
        pltpu.sync_copy(rows[0].at[pl.ds(0, TAIL)],
                        agg_sp.at[pl.ds(ROWS_PT * NS, TAIL)])

    ones16 = jnp.full((16,), 1.0, jnp.float32)
    if with_hist:
        def zh(i, c):
            hist[pl.ds(i * 16, 16)] = zeros16
            return c

        lax.fori_loop(0, N // 16, zh, 0)

    plsc.subcore_barrier()

    tile_base = cid * EPC + sid * EPB

    def hist_update(ibuf):
        for j in range(G // 16):
            v = ibuf[1, pl.ds(j * 16, 16)]
            plsc.addupdate_scatter(hist, [v], ones16)

    def run_groups(first, count):
        assert count <= nbuf
        ids = []
        for i in range(count):
            base = tile_base + (first + i) * G
            ids.append(pltpu.async_copy(ei_h.at[:, pl.ds(base, G)],
                                        idxs[i % nbuf], isem))
        gds = []
        for i in range(count):
            ids[i].wait()
            gds.append(pltpu.async_copy(tbl_h.at[idxs[i % nbuf].at[0]],
                                        rows[i % nbuf], gsem))
        sds = []
        for i in range(count):
            gds[i].wait()
            sds.append(pltpu.async_copy(rows[i % nbuf],
                                        agg_sp.at[idxs[i % nbuf].at[1]],
                                        ssem, add=True))
            if with_hist:
                hist_update(idxs[i % nbuf])
        for i in range(count):
            sds[i].wait()

    def chunk(q, c):
        run_groups(q * nbuf, nbuf)
        return c

    lax.fori_loop(0, NGRP // nbuf, chunk, 0)

    @pl.when(sid == NS - 1)
    def _():
        run_groups(NGRP, EXTRA)

    if with_hist:
        pltpu.sync_copy(hist, hists_h.at[cid * NS + sid, 0])

    plsc.subcore_barrier()

    ob = sid * ROWS_PT
    pltpu.sync_copy(agg_sp.at[pl.ds(ob, ROWS_PT)],
                    agg_h.at[cid, pl.ds(ob, ROWS_PT)])

    @pl.when(sid == 0)
    def _():
        pltpu.sync_copy(agg_sp.at[pl.ds(ROWS_PT * NS, TAIL)],
                        agg_h.at[cid, pl.ds(ROWS_PT * NS, TAIL)])


def _make_sc_agg(with_hist, nbuf):
    assert NGRP % nbuf == 0 and EXTRA <= nbuf
    out_type = [jax.ShapeDtypeStruct((NC, N, D), jnp.float32)]
    if with_hist:
        out_type.append(jax.ShapeDtypeStruct((NC * NS, 1, N), jnp.float32))
    scratch = [pltpu.VMEM_SHARED((N, D), jnp.float32)]
    scratch += [pltpu.VMEM((2, G), jnp.int32) for _ in range(nbuf)]
    scratch += [pltpu.VMEM((G, D), jnp.float32) for _ in range(nbuf)]
    if with_hist:
        scratch.append(pltpu.VMEM((N,), jnp.float32))
    scratch += [pltpu.SemaphoreType.DMA] * 3
    return pl.kernel(
        functools.partial(_sc_agg_body, with_hist, nbuf),
        out_type=tuple(out_type),
        mesh=plsc.VectorSubcoreMesh(core_axis_name="c", subcore_axis_name="s"),
        scratch_types=scratch,
        compiler_params=pltpu.CompilerParams(needs_layout_passes=False),
    )


def _inv_deg_blk(h_ref):
    deg = jnp.sum(jnp.transpose(h_ref[:, 0, :]), axis=1, keepdims=True)
    return 1.0 / jnp.maximum(deg, 1.0)


def _tc_mid_body(agg_ref, h_ref, x_ref, wl0_ref, b0_ref, wr0_ref, h_out):
    inv = _inv_deg_blk(h_ref)
    mean = (agg_ref[0] + agg_ref[1]) * inv
    h_out[...] = jnp.maximum(
        jnp.dot(mean, wl0_ref[...], preferred_element_type=jnp.float32)
        + b0_ref[...]
        + jnp.dot(x_ref[...], wr0_ref[...], preferred_element_type=jnp.float32),
        0.0)


def _tc_mid(agg0, hists, x, wl0, b0, wr0):
    return pl.pallas_call(
        _tc_mid_body,
        out_shape=jax.ShapeDtypeStruct((N, D), jnp.float32),
    )(agg0, hists, x, wl0, b0, wr0)


DO = 64


def _tc_final_body(agg_ref, h_ref, x1_ref, wl1_ref, b1_ref, wr1_ref,
                   wlin_ref, blin_ref, out_ref):
    inv = _inv_deg_blk(h_ref)
    mean = (agg_ref[0] + agg_ref[1]) * inv
    h2 = jnp.maximum(
        jnp.dot(mean, wl1_ref[...], preferred_element_type=jnp.float32)
        + b1_ref[...]
        + jnp.dot(x1_ref[...], wr1_ref[...],
                  preferred_element_type=jnp.float32),
        0.0)
    o = jnp.dot(h2, wlin_ref[...], preferred_element_type=jnp.float32)
    o = o + blin_ref[...]
    m = jnp.max(o, axis=1, keepdims=True)
    e = jnp.exp(o - m)
    out_ref[...] = e / jnp.sum(e, axis=1, keepdims=True)


def _tc_final(agg1, hists, h, wl1, b1, wr1, wlin, blin):
    return pl.pallas_call(
        _tc_final_body,
        out_shape=jax.ShapeDtypeStruct((N, DO), jnp.float32),
    )(agg1, hists, h, wl1, b1, wr1, wlin, blin)


_sc_agg_hist = _make_sc_agg(True, 2)
_sc_agg = _make_sc_agg(False, 3)


def kernel(x, edge_index, Wl0, b0, Wr0, Wl1, b1, Wr1, Wlin, blin):
    agg0, hists = _sc_agg_hist(x, edge_index)
    h = _tc_mid(agg0, hists, x, Wl0, b0.reshape(1, D), Wr0)
    agg1, = _sc_agg(h, edge_index)
    out = _tc_final(agg1, hists, h, Wl1, b1.reshape(1, D), Wr1, Wlin,
                    blin.reshape(1, DO))
    return out

# --- scband reference (transcript-rebuilt; emitter-appended) ---
"""Pipeline reference for scband-graph-sage-65326452572485 (READ-ONLY COPY).

The authoritative reference and input builder live on the scoring server;
editing this copy changes nothing except your own understanding.
"""

import jax, jax.numpy as jnp
import numpy as np

N, E, D_IN, D_H, D_OUT = 10000, 320000, 128, 128, 64


def _glorot(key, shape):
    lim = float(np.sqrt(6.0 / (shape[0] + shape[1])))
    return jax.random.uniform(key, shape, dtype=jnp.float32, minval=-lim, maxval=lim)


def setup_inputs(seed: int = 0) -> dict:
    key = jax.random.key(seed)
    ks = jax.random.split(key, 10)
    x = jax.random.normal(ks[0], (N, D_IN), dtype=jnp.float32)
    edge_index = jax.random.randint(ks[1], (2, E), 0, N, dtype=jnp.int32)
    # SAGEConv layer 0: lin_l (neighbor aggregation, with bias), lin_r (root, no bias)
    Wl0 = _glorot(ks[2], (D_IN, D_H))
    b0 = jnp.zeros((D_H,), dtype=jnp.float32)
    Wr0 = _glorot(ks[3], (D_IN, D_H))
    # SAGEConv layer 1
    Wl1 = _glorot(ks[4], (D_H, D_H))
    b1 = jnp.zeros((D_H,), dtype=jnp.float32)
    Wr1 = _glorot(ks[5], (D_H, D_H))
    # Output Linear
    Wlin = _glorot(ks[6], (D_H, D_OUT))
    blin = jnp.zeros((D_OUT,), dtype=jnp.float32)
    return {"x": x, "edge_index": edge_index, "Wl0": Wl0, "b0": b0, "Wr0": Wr0,
            "Wl1": Wl1, "b1": b1, "Wr1": Wr1, "Wlin": Wlin, "blin": blin}


def _sage_conv(h, src, dst, Wl, b, Wr):
    # mean aggregation of source-node features at destination nodes
    msg = jnp.take(h, src, axis=0)
    agg = jax.ops.segment_sum(msg, dst, num_segments=h.shape[0])
    deg = jax.ops.segment_sum(jnp.ones((src.shape[0],), dtype=h.dtype), dst, num_segments=h.shape[0])
    agg = agg / jnp.maximum(deg, 1.0)[:, None]
    return agg @ Wl + b + h @ Wr


def reference(x, edge_index, Wl0, b0, Wr0, Wl1, b1, Wr1, Wlin, blin):
    src = edge_index[0]
    dst = edge_index[1]
    h = jax.nn.relu(_sage_conv(x, src, dst, Wl0, b0, Wr0))
    # dropout p=0.0 -> identity
    h = jax.nn.relu(_sage_conv(h, src, dst, Wl1, b1, Wr1))
    # dropout p=0.0 -> identity
    out = h @ Wlin + blin
    return jax.nn.softmax(out, axis=1)

if __name__ == "__main__":
    import jax
    _d = setup_inputs()
    print(jax.jit(kernel)(*tuple(_d.values())))

</pallas_src>

<mosaic_0001>
#map = affine_map<(d0, d1) -> (0, 0)>
#map1 = affine_map<(d0, d1) -> (0, 0, 0)>
module attributes {stable_mosaic.version = 14 : i64} {
  func.func @_sc_agg_body(%arg0: i32, %arg1: i32, %arg2: memref<10000x128xf32, #tpu.memory_space<hbm>>, %arg3: memref<2x320000xi32, #tpu.memory_space<hbm>>, %arg4: memref<2x10000x128xf32, #tpu.memory_space<hbm>>, %arg5: memref<32x1x10000xf32, #tpu.memory_space<hbm>>, %arg6: memref<10000x128xf32, #tpu.memory_space<vmem_shared>>, %arg7: memref<2x128xi32, #tpu.memory_space<vmem>>, %arg8: memref<2x128xi32, #tpu.memory_space<vmem>>, %arg9: memref<128x128xf32, #tpu.memory_space<vmem>>, %arg10: memref<128x128xf32, #tpu.memory_space<vmem>>, %arg11: memref<10000xf32, #tpu.memory_space<vmem>>, %arg12: memref<!tpu.dma_semaphore, #tpu.memory_space<semaphore_mem>>, %arg13: memref<!tpu.dma_semaphore, #tpu.memory_space<semaphore_mem>>, %arg14: memref<!tpu.dma_semaphore, #tpu.memory_space<semaphore_mem>>) attributes {dimension_semantics = [#tpu.dimension_semantics<core_parallel>, #tpu.dimension_semantics<subcore_parallel>], iteration_bounds = array<i64: 2, 16>, scalar_prefetch = 0 : i64, scratch_operands = 9 : i64, tpu.core_type = #tpu.core_type<sc_vector_subcore>, window_params = [{transform_indices = #map}, {transform_indices = #map}, {transform_indices = #map1}, {transform_indices = #map1}]} {
    %broadcast_in_dim3A = arith.constant 0.000000e+00 : f32
    %broadcast_in_dim3A_0 = vector.broadcast %broadcast_in_dim3A : f32 to vector<16xf32>
    %scan3A = arith.constant 0 : i32
    %scan3A_1 = arith.constant 0 : i32
    %scan3A_2 = arith.constant 128 : i32
    %scan3A_3 = arith.addi %scan3A_1, %scan3A_2 : i32
    %scan3A_4 = arith.constant 1 : i32
    scf.for %scan3A_53 = %scan3A_1 to %scan3A_3 step %scan3A_4  : i32 {
      %swap3A = arith.index_cast %scan3A_53 : i32 to index
      %swap3A_54 = arith.constant 0 : index
      %swap3A_55 = tpu.vector_load %arg9[%swap3A, %swap3A_54] {strides = array<i32>} : memref<128x128xf32, #tpu.memory_space<vmem>>, vector<16xf32>,
      tpu.vector_store %arg9[%swap3A, %swap3A_54], %broadcast_in_dim3A_0 {strides = array<i32>} : memref<128x128xf32, #tpu.memory_space<vmem>>, vector<16xf32>,
      %swap3A_56 = arith.index_cast %scan3A_53 : i32 to index
      %swap3A_57 = arith.constant 16 : index
      %swap3A_58 = tpu.vector_load %arg9[%swap3A_56, %swap3A_57] {strides = array<i32>} : memref<128x128xf32, #tpu.memory_space<vmem>>, vector<16xf32>,
      tpu.vector_store %arg9[%swap3A_56, %swap3A_57], %broadcast_in_dim3A_0 {strides = array<i32>} : memref<128x128xf32, #tpu.memory_space<vmem>>, vector<16xf32>,
      %swap3A_59 = arith.index_cast %scan3A_53 : i32 to index
      %swap3A_60 = arith.constant 32 : index
      %swap3A_61 = tpu.vector_load %arg9[%swap3A_59, %swap3A_60] {strides = array<i32>} : memref<128x128xf32, #tpu.memory_space<vmem>>, vector<16xf32>,
      tpu.vector_store %arg9[%swap3A_59, %swap3A_60], %broadcast_in_dim3A_0 {strides = array<i32>} : memref<128x128xf32, #tpu.memory_space<vmem>>, vector<16xf32>,
      %swap3A_62 = arith.index_cast %scan3A_53 : i32 to index
      %swap3A_63 = arith.constant 48 : index
      %swap3A_64 = tpu.vector_load %arg9[%swap3A_62, %swap3A_63] {strides = array<i32>} : memref<128x128xf32, #tpu.memory_space<vmem>>, vector<16xf32>,
      tpu.vector_store %arg9[%swap3A_62, %swap3A_63], %broadcast_in_dim3A_0 {strides = array<i32>} : memref<128x128xf32, #tpu.memory_space<vmem>>, vector<16xf32>,
      %swap3A_65 = arith.index_cast %scan3A_53 : i32 to index
      %swap3A_66 = arith.constant 64 : index
      %swap3A_67 = tpu.vector_load %arg9[%swap3A_65, %swap3A_66] {strides = array<i32>} : memref<128x128xf32, #tpu.memory_space<vmem>>, vector<16xf32>,
      tpu.vector_store %arg9[%swap3A_65, %swap3A_66], %broadcast_in_dim3A_0 {strides = array<i32>} : memref<128x128xf32, #tpu.memory_space<vmem>>, vector<16xf32>,
      %swap3A_68 = arith.index_cast %scan3A_53 : i32 to index
      %swap3A_69 = arith.constant 80 : index
      %swap3A_70 = tpu.vector_load %arg9[%swap3A_68, %swap3A_69] {strides = array<i32>} : memref<128x128xf32, #tpu.memory_space<vmem>>, vector<16xf32>,
      tpu.vector_store %arg9[%swap3A_68, %swap3A_69], %broadcast_in_dim3A_0 {strides = array<i32>} : memref<128x128xf32, #tpu.memory_space<vmem>>, vector<16xf32>,
      %swap3A_71 = arith.index_cast %scan3A_53 : i32 to index
      %swap3A_72 = arith.constant 96 : index
      %swap3A_73 = tpu.vector_load %arg9[%swap3A_71, %swap3A_72] {strides = array<i32>} : memref<128x128xf32, #tpu.memory_space<vmem>>, vector<16xf32>,
      tpu.vector_store %arg9[%swap3A_71, %swap3A_72], %broadcast_in_dim3A_0 {strides = array<i32>} : memref<128x128xf32, #tpu.memory_space<vmem>>, vector<16xf32>,
      %swap3A_74 = arith.index_cast %scan3A_53 : i32 to index
      %swap3A_75 = arith.constant 112 : index
      %swap3A_76 = tpu.vector_load %arg9[%swap3A_74, %swap3A_75] {strides = array<i32>} : memref<128x128xf32, #tpu.memory_space<vmem>>, vector<16xf32>,
      tpu.vector_store %arg9[%swap3A_74, %swap3A_75], %broadcast_in_dim3A_0 {strides = array<i32>} : memref<128x128xf32, #tpu.memory_space<vmem>>, vector<16xf32>,
    }
    %scan3A_5 = arith.constant 128 : i32
    %mul3A = arith.constant 624 : i32
    %mul3A_6 = arith.muli %arg1, %mul3A : i32
    %add3A = arith.constant 0 : i32
    %add3A_7 = arith.addi %mul3A_6, %add3A : i32
    "tpu.region"() ({
      %run_scoped3A_53 = tpu.sem_alloc : memref<!tpu.dma_semaphore, #tpu.memory_space<semaphore_mem>>
      %dma_start3A = arith.constant 0 : i32
      %dma_start3A_54 = tpu.memref_slice %arg6[%add3A_7, %dma_start3A] : memref<10000x128xf32, #tpu.memory_space<vmem_shared>> -> memref<128x128xf32, #tpu.memory_space<vmem_shared>>
      %dma_start3A_55 = arith.constant 0 : i32
      %dma_start3A_56 = tpu.memref_slice %arg6[%add3A_7, %dma_start3A_55] : memref<10000x128xf32, #tpu.memory_space<vmem_shared>> -> memref<128x128xf32, #tpu.memory_space<vmem_shared>>
      tpu.enqueue_dma source(%arg9 : memref<128x128xf32, #tpu.memory_space<vmem>>) target(%dma_start3A_56 : memref<128x128xf32, #tpu.memory_space<vmem_shared>>) target_semaphore(%run_scoped3A_53 : memref<!tpu.dma_semaphore, #tpu.memory_space<semaphore_mem>>)
      %dma_wait3A = arith.constant 0 : i32
      %dma_wait3A_57 = tpu.memref_slice %arg6[%add3A_7, %dma_wait3A] : memref<10000x128xf32, #tpu.memory_space<vmem_shared>> -> memref<128x128xf32, #tpu.memory_space<vmem_shared>>
      %dma_wait3A_58 = arith.constant 0 : i32
      %dma_wait3A_59 = tpu.memref_slice %arg6[%add3A_7, %dma_wait3A_58] : memref<10000x128xf32, #tpu.memory_space<vmem_shared>> -> memref<128x128xf32, #tpu.memory_space<vmem_shared>>
      tpu.wait_dma2 semaphore(%run_scoped3A_53 : memref<!tpu.dma_semaphore, #tpu.memory_space<semaphore_mem>>) src(%arg9 : memref<128x128xf32, #tpu.memory_space<vmem>>) dst(%dma_wait3A_59 : memref<128x128xf32, #tpu.memory_space<vmem_shared>>)
      tpu.yield
    }) : () -> ()
    %add3A_8 = arith.constant 128 : i32
    %add3A_9 = arith.addi %mul3A_6, %add3A_8 : i32
    "tpu.region"() ({
      %run_scoped3A_53 = tpu.sem_alloc : memref<!tpu.dma_semaphore, #tpu.memory_space<semaphore_mem>>
      %dma_start3A = arith.constant 0 : i32
      %dma_start3A_54 = tpu.memref_slice %arg6[%add3A_9, %dma_start3A] : memref<10000x128xf32, #tpu.memory_space<vmem_shared>> -> memref<128x128xf32, #tpu.memory_space<vmem_shared>>
      %dma_start3A_55 = arith.constant 0 : i32
      %dma_start3A_56 = tpu.memref_slice %arg6[%add3A_9, %dma_start3A_55] : memref<10000x128xf32, #tpu.memory_space<vmem_shared>> -> memref<128x128xf32, #tpu.memory_space<vmem_shared>>
      tpu.enqueue_dma source(%arg9 : memref<128x128xf32, #tpu.memory_space<vmem>>) target(%dma_start3A_56 : memref<128x128xf32, #tpu.memory_space<vmem_shared>>) target_semaphore(%run_scoped3A_53 : memref<!tpu.dma_semaphore, #tpu.memory_space<semaphore_mem>>)
      %dma_wait3A = arith.constant 0 : i32
      %dma_wait3A_57 = tpu.memref_slice %arg6[%add3A_9, %dma_wait3A] : memref<10000x128xf32, #tpu.memory_space<vmem_shared>> -> memref<128x128xf32, #tpu.memory_space<vmem_shared>>
      %dma_wait3A_58 = arith.constant 0 : i32
      %dma_wait3A_59 = tpu.memref_slice %arg6[%add3A_9, %dma_wait3A_58] : memref<10000x128xf32, #tpu.memory_space<vmem_shared>> -> memref<128x128xf32, #tpu.memory_space<vmem_shared>>
      tpu.wait_dma2 semaphore(%run_scoped3A_53 : memref<!tpu.dma_semaphore, #tpu.memory_space<semaphore_mem>>) src(%arg9 : memref<128x128xf32, #tpu.memory_space<vmem>>) dst(%dma_wait3A_59 : memref<128x128xf32, #tpu.memory_space<vmem_shared>>)
      tpu.yield
    }) : () -> ()
    %add3A_10 = arith.constant 256 : i32
    %add3A_11 = arith.addi %mul3A_6, %add3A_10 : i32
    "tpu.region"() ({
      %run_scoped3A_53 = tpu.sem_alloc : memref<!tpu.dma_semaphore, #tpu.memory_space<semaphore_mem>>
      %dma_start3A = arith.constant 0 : i32
      %dma_start3A_54 = tpu.memref_slice %arg6[%add3A_11, %dma_start3A] : memref<10000x128xf32, #tpu.memory_space<vmem_shared>> -> memref<128x128xf32, #tpu.memory_space<vmem_shared>>
      %dma_start3A_55 = arith.constant 0 : i32
      %dma_start3A_56 = tpu.memref_slice %arg6[%add3A_11, %dma_start3A_55] : memref<10000x128xf32, #tpu.memory_space<vmem_shared>> -> memref<128x128xf32, #tpu.memory_space<vmem_shared>>
      tpu.enqueue_dma source(%arg9 : memref<128x128xf32, #tpu.memory_space<vmem>>) target(%dma_start3A_56 : memref<128x128xf32, #tpu.memory_space<vmem_shared>>) target_semaphore(%run_scoped3A_53 : memref<!tpu.dma_semaphore, #tpu.memory_space<semaphore_mem>>)
      %dma_wait3A = arith.constant 0 : i32
      %dma_wait3A_57 = tpu.memref_slice %arg6[%add3A_11, %dma_wait3A] : memref<10000x128xf32, #tpu.memory_space<vmem_shared>> -> memref<128x128xf32, #tpu.memory_space<vmem_shared>>
      %dma_wait3A_58 = arith.constant 0 : i32
      %dma_wait3A_59 = tpu.memref_slice %arg6[%add3A_11, %dma_wait3A_58] : memref<10000x128xf32, #tpu.memory_space<vmem_shared>> -> memref<128x128xf32, #tpu.memory_space<vmem_shared>>
      tpu.wait_dma2 semaphore(%run_scoped3A_53 : memref<!tpu.dma_semaphore, #tpu.memory_space<semaphore_mem>>) src(%arg9 : memref<128x128xf32, #tpu.memory_space<vmem>>) dst(%dma_wait3A_59 : memref<128x128xf32, #tpu.memory_space<vmem_shared>>)
      tpu.yield
    }) : () -> ()
    %add3A_12 = arith.constant 384 : i32
    %add3A_13 = arith.addi %mul3A_6, %add3A_12 : i32
    "tpu.region"() ({
      %run_scoped3A_53 = tpu.sem_alloc : memref<!tpu.dma_semaphore, #tpu.memory_space<semaphore_mem>>
      %dma_start3A = arith.constant 0 : i32
      %dma_start3A_54 = tpu.memref_slice %arg6[%add3A_13, %dma_start3A] : memref<10000x128xf32, #tpu.memory_space<vmem_shared>> -> memref<128x128xf32, #tpu.memory_space<vmem_shared>>
      %dma_start3A_55 = arith.constant 0 : i32
      %dma_start3A_56 = tpu.memref_slice %arg6[%add3A_13, %dma_start3A_55] : memref<10000x128xf32, #tpu.memory_space<vmem_shared>> -> memref<128x128xf32, #tpu.memory_space<vmem_shared>>
      tpu.enqueue_dma source(%arg9 : memref<128x128xf32, #tpu.memory_space<vmem>>) target(%dma_start3A_56 : memref<128x128xf32, #tpu.memory_space<vmem_shared>>) target_semaphore(%run_scoped3A_53 : memref<!tpu.dma_semaphore, #tpu.memory_space<semaphore_mem>>)
      %dma_wait3A = arith.constant 0 : i32
      %dma_wait3A_57 = tpu.memref_slice %arg6[%add3A_13, %dma_wait3A] : memref<10000x128xf32, #tpu.memory_space<vmem_shared>> -> memref<128x128xf32, #tpu.memory_space<vmem_shared>>
      %dma_wait3A_58 = arith.constant 0 : i32
      %dma_wait3A_59 = tpu.memref_slice %arg6[%add3A_13, %dma_wait3A_58] : memref<10000x128xf32, #tpu.memory_space<vmem_shared>> -> memref<128x128xf32, #tpu.memory_space<vmem_shared>>
      tpu.wait_dma2 semaphore(%run_scoped3A_53 : memref<!tpu.dma_semaphore, #tpu.memory_space<semaphore_mem>>) src(%arg9 : memref<128x128xf32, #tpu.memory_space<vmem>>) dst(%dma_wait3A_59 : memref<128x128xf32, #tpu.memory_space<vmem_shared>>)
      tpu.yield
    }) : () -> ()
    %add3A_14 = arith.constant 512 : i32
    %add3A_15 = arith.addi %mul3A_6, %add3A_14 : i32
    "tpu.region"() ({
      %run_scoped3A_53 = tpu.sem_alloc : memref<!tpu.dma_semaphore, #tpu.memory_space<semaphore_mem>>
      %dma_start3A = arith.constant 0 : i32
      %dma_start3A_54 = arith.constant 0 : i32
      %dma_start3A_55 = tpu.memref_slice %arg9[%dma_start3A, %dma_start3A_54] : memref<128x128xf32, #tpu.memory_space<vmem>> -> memref<112x128xf32, #tpu.memory_space<vmem>>
      %dma_start3A_56 = arith.constant 0 : i32
      %dma_start3A_57 = tpu.memref_slice %arg6[%add3A_15, %dma_start3A_56] : memref<10000x128xf32, #tpu.memory_space<vmem_shared>> -> memref<112x128xf32, #tpu.memory_space<vmem_shared>>
      %dma_start3A_58 = arith.constant 0 : i32
      %dma_start3A_59 = tpu.memref_slice %arg6[%add3A_15, %dma_start3A_58] : memref<10000x128xf32, #tpu.memory_space<vmem_shared>> -> memref<112x128xf32, #tpu.memory_space<vmem_shared>>
      %dma_start3A_60 = arith.constant 0 : i32
      %dma_start3A_61 = arith.constant 0 : i32
      %dma_start3A_62 = tpu.memref_slice %arg9[%dma_start3A_60, %dma_start3A_61] : memref<128x128xf32, #tpu.memory_space<vmem>> -> memref<112x128xf32, #tpu.memory_space<vmem>>
      tpu.enqueue_dma source(%dma_start3A_62 : memref<112x128xf32, #tpu.memory_space<vmem>>) target(%dma_start3A_59 : memref<112x128xf32, #tpu.memory_space<vmem_shared>>) target_semaphore(%run_scoped3A_53 : memref<!tpu.dma_semaphore, #tpu.memory_space<semaphore_mem>>)
      %dma_wait3A = arith.constant 0 : i32
      %dma_wait3A_63 = arith.constant 0 : i32
      %dma_wait3A_64 = tpu.memref_slice %arg9[%dma_wait3A, %dma_wait3A_63] : memref<128x128xf32, #tpu.memory_space<vmem>> -> memref<112x128xf32, #tpu.memory_space<vmem>>
      %dma_wait3A_65 = arith.constant 0 : i32
      %dma_wait3A_66 = tpu.memref_slice %arg6[%add3A_15, %dma_wait3A_65] : memref<10000x128xf32, #tpu.memory_space<vmem_shared>> -> memref<112x128xf32, #tpu.memory_space<vmem_shared>>
      %dma_wait3A_67 = arith.constant 0 : i32
      %dma_wait3A_68 = tpu.memref_slice %arg6[%add3A_15, %dma_wait3A_67] : memref<10000x128xf32, #tpu.memory_space<vmem_shared>> -> memref<112x128xf32, #tpu.memory_space<vmem_shared>>
      %dma_wait3A_69 = arith.constant 0 : i32
      %dma_wait3A_70 = arith.constant 0 : i32
      %dma_wait3A_71 = tpu.memref_slice %arg9[%dma_wait3A_69, %dma_wait3A_70] : memref<128x128xf32, #tpu.memory_space<vmem>> -> memref<112x128xf32, #tpu.memory_space<vmem>>
      tpu.wait_dma2 semaphore(%run_scoped3A_53 : memref<!tpu.dma_semaphore, #tpu.memory_space<semaphore_mem>>) src(%dma_wait3A_71 : memref<112x128xf32, #tpu.memory_space<vmem>>) dst(%dma_wait3A_68 : memref<112x128xf32, #tpu.memory_space<vmem_shared>>)
      tpu.yield
    }) : () -> ()
    %eq3A = arith.constant 0 : i32
    %eq3A_16 = arith.cmpi eq, %arg1, %eq3A : i32
    %convert_element_type3A = arith.extui %eq3A_16 : i1 to i32
    %cond3A = arith.constant 0 : i32
    %cond3A_17 = arith.cmpi ne, %convert_element_type3A, %cond3A : i32
    scf.if %cond3A_17 {
      "tpu.region"() ({
        %run_scoped3A_53 = tpu.sem_alloc : memref<!tpu.dma_semaphore, #tpu.memory_space<semaphore_mem>>
        %dma_start3A = arith.constant 0 : i32
        %dma_start3A_54 = arith.constant 0 : i32
        %dma_start3A_55 = tpu.memref_slice %arg9[%dma_start3A, %dma_start3A_54] : memref<128x128xf32, #tpu.memory_space<vmem>> -> memref<16x128xf32, #tpu.memory_space<vmem>>
        %dma_start3A_56 = arith.constant 9984 : i32
        %dma_start3A_57 = arith.constant 0 : i32
        %dma_start3A_58 = tpu.memref_slice %arg6[%dma_start3A_56, %dma_start3A_57] : memref<10000x128xf32, #tpu.memory_space<vmem_shared>> -> memref<16x128xf32, #tpu.memory_space<vmem_shared>>
        %dma_start3A_59 = arith.constant 9984 : i32
        %dma_start3A_60 = arith.constant 0 : i32
        %dma_start3A_61 = tpu.memref_slice %arg6[%dma_start3A_59, %dma_start3A_60] : memref<10000x128xf32, #tpu.memory_space<vmem_shared>> -> memref<16x128xf32, #tpu.memory_space<vmem_shared>>
        %dma_start3A_62 = arith.constant 0 : i32
        %dma_start3A_63 = arith.constant 0 : i32
        %dma_start3A_64 = tpu.memref_slice %arg9[%dma_start3A_62, %dma_start3A_63] : memref<128x128xf32, #tpu.memory_space<vmem>> -> memref<16x128xf32, #tpu.memory_space<vmem>>
        tpu.enqueue_dma source(%dma_start3A_64 : memref<16x128xf32, #tpu.memory_space<vmem>>) target(%dma_start3A_61 : memref<16x128xf32, #tpu.memory_space<vmem_shared>>) target_semaphore(%run_scoped3A_53 : memref<!tpu.dma_semaphore, #tpu.memory_space<semaphore_mem>>)
        %dma_wait3A = arith.constant 0 : i32
        %dma_wait3A_65 = arith.constant 0 : i32
        %dma_wait3A_66 = tpu.memref_slice %arg9[%dma_wait3A, %dma_wait3A_65] : memref<128x128xf32, #tpu.memory_space<vmem>> -> memref<16x128xf32, #tpu.memory_space<vmem>>
        %dma_wait3A_67 = arith.constant 9984 : i32
        %dma_wait3A_68 = arith.constant 0 : i32
        %dma_wait3A_69 = tpu.memref_slice %arg6[%dma_wait3A_67, %dma_wait3A_68] : memref<10000x128xf32, #tpu.memory_space<vmem_shared>> -> memref<16x128xf32, #tpu.memory_space<vmem_shared>>
        %dma_wait3A_70 = arith.constant 9984 : i32
        %dma_wait3A_71 = arith.constant 0 : i32
        %dma_wait3A_72 = tpu.memref_slice %arg6[%dma_wait3A_70, %dma_wait3A_71] : memref<10000x128xf32, #tpu.memory_space<vmem_shared>> -> memref<16x128xf32, #tpu.memory_space<vmem_shared>>
        %dma_wait3A_73 = arith.constant 0 : i32
        %dma_wait3A_74 = arith.constant 0 : i32
        %dma_wait3A_75 = tpu.memref_slice %arg9[%dma_wait3A_73, %dma_wait3A_74] : memref<128x128xf32, #tpu.memory_space<vmem>> -> memref<16x128xf32, #tpu.memory_space<vmem>>
        tpu.wait_dma2 semaphore(%run_scoped3A_53 : memref<!tpu.dma_semaphore, #tpu.memory_space<semaphore_mem>>) src(%dma_wait3A_75 : memref<16x128xf32, #tpu.memory_space<vmem>>) dst(%dma_wait3A_72 : memref<16x128xf32, #tpu.memory_space<vmem_shared>>)
        tpu.yield
      }) : () -> ()
    } else {
    }
    %broadcast_in_dim3A_18 = arith.constant 1.000000e+00 : f32
    %broadcast_in_dim3A_19 = vector.broadcast %broadcast_in_dim3A_18 : f32 to vector<16xf32>
    %scan3A_20 = arith.constant 0 : i32
    %scan3A_21 = arith.constant 0 : i32
    %scan3A_22 = arith.constant 625 : i32
    %scan3A_23 = arith.addi %scan3A_21, %scan3A_22 : i32
    %scan3A_24 = arith.constant 1 : i32
    scf.for %scan3A_53 = %scan3A_21 to %scan3A_23 step %scan3A_24  : i32 {
      %mul3A_54 = arith.constant 16 : i32
      %mul3A_55 = arith.muli %scan3A_53, %mul3A_54 : i32
      %swap3A = arith.index_cast %mul3A_55 : i32 to index
      %swap3A_56 = tpu.vector_load %arg11[%swap3A] {strides = array<i32>} : memref<10000xf32, #tpu.memory_space<vmem>>, vector<16xf32>,
      tpu.vector_store %arg11[%swap3A], %broadcast_in_dim3A_0 {strides = array<i32>} : memref<10000xf32, #tpu.memory_space<vmem>>, vector<16xf32>,
    }
    %scan3A_25 = arith.constant 625 : i32
    %barrier3A = arith.constant 0 : index
    tpu.barrier barrier_id(%barrier3A)
    %mul3A_26 = arith.constant 160000 : i32
    %mul3A_27 = arith.muli %arg0, %mul3A_26 : i32
    %mul3A_28 = arith.constant 9984 : i32
    %mul3A_29 = arith.muli %arg1, %mul3A_28 : i32
    %add3A_30 = arith.addi %mul3A_27, %mul3A_29 : i32
    %scan3A_31 = arith.constant 0 : i32
    %scan3A_32 = arith.constant 0 : i32
    %scan3A_33 = arith.constant 39 : i32
    %scan3A_34 = arith.addi %scan3A_32, %scan3A_33 : i32
    %scan3A_35 = arith.constant 1 : i32
    scf.for %scan3A_53 = %scan3A_32 to %scan3A_34 step %scan3A_35  : i32 {
      %mul3A_54 = arith.constant 2 : i32
      %mul3A_55 = arith.muli %scan3A_53, %mul3A_54 : i32
      %add3A_56 = arith.constant 0 : i32
      %add3A_57 = arith.addi %mul3A_55, %add3A_56 : i32
      %mul3A_58 = arith.constant 128 : i32
      %mul3A_59 = arith.muli %add3A_57, %mul3A_58 : i32
      %add3A_60 = arith.addi %add3A_30, %mul3A_59 : i32
      %dma_start3A = arith.constant 0 : i32
      %dma_start3A_61 = tpu.memref_slice %arg3[%dma_start3A, %add3A_60] : memref<2x320000xi32, #tpu.memory_space<hbm>> -> memref<2x128xi32, #tpu.memory_space<hbm>>
      %dma_start3A_62 = arith.constant 0 : i32
      %dma_start3A_63 = tpu.memref_slice %arg3[%dma_start3A_62, %add3A_60] : memref<2x320000xi32, #tpu.memory_space<hbm>> -> memref<2x128xi32, #tpu.memory_space<hbm>>
      tpu.enqueue_dma source(%dma_start3A_63 : memref<2x128xi32, #tpu.memory_space<hbm>>) target(%arg7 : memref<2x128xi32, #tpu.memory_space<vmem>>) target_semaphore(%arg12 : memref<!tpu.dma_semaphore, #tpu.memory_space<semaphore_mem>>)
      %add3A_64 = arith.constant 1 : i32
      %add3A_65 = arith.addi %mul3A_55, %add3A_64 : i32
      %mul3A_66 = arith.constant 128 : i32
      %mul3A_67 = arith.muli %add3A_65, %mul3A_66 : i32
      %add3A_68 = arith.addi %add3A_30, %mul3A_67 : i32
      %dma_start3A_69 = arith.constant 0 : i32
      %dma_start3A_70 = tpu.memref_slice %arg3[%dma_start3A_69, %add3A_68] : memref<2x320000xi32, #tpu.memory_space<hbm>> -> memref<2x128xi32, #tpu.memory_space<hbm>>
      %dma_start3A_71 = arith.constant 0 : i32
      %dma_start3A_72 = tpu.memref_slice %arg3[%dma_start3A_71, %add3A_68] : memref<2x320000xi32, #tpu.memory_space<hbm>> -> memref<2x128xi32, #tpu.memory_space<hbm>>
      tpu.enqueue_dma source(%dma_start3A_72 : memref<2x128xi32, #tpu.memory_space<hbm>>) target(%arg8 : memref<2x128xi32, #tpu.memory_space<vmem>>) target_semaphore(%arg12 : memref<!tpu.dma_semaphore, #tpu.memory_space<semaphore_mem>>)
      %dma_wait3A = arith.constant 0 : i32
      %dma_wait3A_73 = tpu.memref_slice %arg3[%dma_wait3A, %add3A_60] : memref<2x320000xi32, #tpu.memory_space<hbm>> -> memref<2x128xi32, #tpu.memory_space<hbm>>
      %dma_wait3A_74 = arith.constant 0 : i32
      %dma_wait3A_75 = tpu.memref_slice %arg3[%dma_wait3A_74, %add3A_60] : memref<2x320000xi32, #tpu.memory_space<hbm>> -> memref<2x128xi32, #tpu.memory_space<hbm>>
      tpu.wait_dma2 semaphore(%arg12 : memref<!tpu.dma_semaphore, #tpu.memory_space<semaphore_mem>>) src(%dma_wait3A_75 : memref<2x128xi32, #tpu.memory_space<hbm>>) dst(%arg7 : memref<2x128xi32, #tpu.memory_space<vmem>>)
      %dma_start3A_76 = arith.constant 0 : i32
      %dma_start3A_77 = arith.constant 0 : i32
      %dma_start3A_78 = tpu.memref_slice %arg7[%dma_start3A_76, %dma_start3A_77] : memref<2x128xi32, #tpu.memory_space<vmem>> -> memref<1x128xi32, #tpu.memory_space<vmem>>
      %dma_start3A_79 = tpu.memref_squeeze %dma_start3A_78 : memref<1x128xi32, #tpu.memory_space<vmem>> -> memref<128xi32, #tpu.memory_space<vmem>>
      %dma_start3A_80 = arith.constant 0 : i32
      %dma_start3A_81 = arith.constant 0 : i32
      %dma_start3A_82 = tpu.memref_slice %arg2[%dma_start3A_80, %dma_start3A_81] : memref<10000x128xf32, #tpu.memory_space<hbm>> -> memref<10000x128xf32, #tpu.memory_space<hbm>>
      tpu.enqueue_indirect_dma source(%dma_start3A_82 : memref<10000x128xf32, #tpu.memory_space<hbm>>) target(%arg9 : memref<128x128xf32, #tpu.memory_space<vmem>>) offsets(%dma_start3A_79 : memref<128xi32, #tpu.memory_space<vmem>>) semaphore(%arg13 : memref<!tpu.dma_semaphore, #tpu.memory_space<semaphore_mem>>)
      %dma_wait3A_83 = arith.constant 0 : i32
      %dma_wait3A_84 = tpu.memref_slice %arg3[%dma_wait3A_83, %add3A_68] : memref<2x320000xi32, #tpu.memory_space<hbm>> -> memref<2x128xi32, #tpu.memory_space<hbm>>
      %dma_wait3A_85 = arith.constant 0 : i32
      %dma_wait3A_86 = tpu.memref_slice %arg3[%dma_wait3A_85, %add3A_68] : memref<2x320000xi32, #tpu.memory_space<hbm>> -> memref<2x128xi32, #tpu.memory_space<hbm>>
      tpu.wait_dma2 semaphore(%arg12 : memref<!tpu.dma_semaphore, #tpu.memory_space<semaphore_mem>>) src(%dma_wait3A_86 : memref<2x128xi32, #tpu.memory_space<hbm>>) dst(%arg8 : memref<2x128xi32, #tpu.memory_space<vmem>>)
      %dma_start3A_87 = arith.constant 0 : i32
      %dma_start3A_88 = arith.constant 0 : i32
      %dma_start3A_89 = tpu.memref_slice %arg8[%dma_start3A_87, %dma_start3A_88] : memref<2x128xi32, #tpu.memory_space<vmem>> -> memref<1x128xi32, #tpu.memory_space<vmem>>
      %dma_start3A_90 = tpu.memref_squeeze %dma_start3A_89 : memref<1x128xi32, #tpu.memory_space<vmem>> -> memref<128xi32, #tpu.memory_space<vmem>>
      %dma_start3A_91 = arith.constant 0 : i32
      %dma_start3A_92 = arith.constant 0 : i32
      %dma_start3A_93 = tpu.memref_slice %arg2[%dma_start3A_91, %dma_start3A_92] : memref<10000x128xf32, #tpu.memory_space<hbm>> -> memref<10000x128xf32, #tpu.memory_space<hbm>>
      tpu.enqueue_indirect_dma source(%dma_start3A_93 : memref<10000x128xf32, #tpu.memory_space<hbm>>) target(%arg10 : memref<128x128xf32, #tpu.memory_space<vmem>>) offsets(%dma_start3A_90 : memref<128xi32, #tpu.memory_space<vmem>>) semaphore(%arg13 : memref<!tpu.dma_semaphore, #tpu.memory_space<semaphore_mem>>)
      %dma_wait3A_94 = arith.constant 0 : i32
      %dma_wait3A_95 = arith.constant 0 : i32
      %dma_wait3A_96 = tpu.memref_slice %arg7[%dma_wait3A_94, %dma_wait3A_95] : memref<2x128xi32, #tpu.memory_space<vmem>> -> memref<1x128xi32, #tpu.memory_space<vmem>>
      %dma_wait3A_97 = tpu.memref_squeeze %dma_wait3A_96 : memref<1x128xi32, #tpu.memory_space<vmem>> -> memref<128xi32, #tpu.memory_space<vmem>>
      %dma_wait3A_98 = arith.constant 0 : i32
      %dma_wait3A_99 = arith.constant 0 : i32
      %dma_wait3A_100 = tpu.memref_slice %arg2[%dma_wait3A_98, %dma_wait3A_99] : memref<10000x128xf32, #tpu.memory_space<hbm>> -> memref<10000x128xf32, #tpu.memory_space<hbm>>
      tpu.wait_indirect_dma semaphore(%arg13 : memref<!tpu.dma_semaphore, #tpu.memory_space<semaphore_mem>>) src(%dma_wait3A_100 : memref<10000x128xf32, #tpu.memory_space<hbm>>) dst(%arg9 : memref<128x128xf32, #tpu.memory_space<vmem>>)
      %dma_start3A_101 = arith.constant 1 : i32
      %dma_start3A_102 = arith.constant 0 : i32
      %dma_start3A_103 = tpu.memref_slice %arg7[%dma_start3A_101, %dma_start3A_102] : memref<2x128xi32, #tpu.memory_space<vmem>> -> memref<1x128xi32, #tpu.memory_space<vmem>>
      %dma_start3A_104 = tpu.memref_squeeze %dma_start3A_103 : memref<1x128xi32, #tpu.memory_space<vmem>> -> memref<128xi32, #tpu.memory_space<vmem>>
      %dma_start3A_105 = arith.constant 0 : i32
      %dma_start3A_106 = arith.constant 0 : i32
      %dma_start3A_107 = tpu.memref_slice %arg6[%dma_start3A_105, %dma_start3A_106] : memref<10000x128xf32, #tpu.memory_space<vmem_shared>> -> memref<10000x128xf32, #tpu.memory_space<vmem_shared>>
      tpu.enqueue_indirect_dma source(%arg9 : memref<128x128xf32, #tpu.memory_space<vmem>>) target(%dma_start3A_107 : memref<10000x128xf32, #tpu.memory_space<vmem_shared>>) offsets(%dma_start3A_104 : memref<128xi32, #tpu.memory_space<vmem>>) semaphore(%arg14 : memref<!tpu.dma_semaphore, #tpu.memory_space<semaphore_mem>>) {add = true}
      %get3A = arith.constant 1 : i32
      %get3A_108 = arith.index_cast %get3A : i32 to index
      %get3A_109 = arith.constant 0 : index
      %get3A_110 = tpu.vector_load %arg7[%get3A_108, %get3A_109] {strides = array<i32>} : memref<2x128xi32, #tpu.memory_space<vmem>>, vector<16xi32>,
      tpu.vector_store_idx %arg11[%get3A_110], %broadcast_in_dim3A_19 {add = true} : memref<10000xf32, #tpu.memory_space<vmem>>[vector<16xi32>], vector<16xf32>,
      %get3A_111 = arith.constant 1 : i32
      %get3A_112 = arith.index_cast %get3A_111 : i32 to index
      %get3A_113 = arith.constant 16 : index
      %get3A_114 = tpu.vector_load %arg7[%get3A_112, %get3A_113] {strides = array<i32>} : memref<2x128xi32, #tpu.memory_space<vmem>>, vector<16xi32>,
      tpu.vector_store_idx %arg11[%get3A_114], %broadcast_in_dim3A_19 {add = true} : memref<10000xf32, #tpu.memory_space<vmem>>[vector<16xi32>], vector<16xf32>,
      %get3A_115 = arith.constant 1 : i32
      %get3A_116 = arith.index_cast %get3A_115 : i32 to index
      %get3A_117 = arith.constant 32 : index
      %get3A_118 = tpu.vector_load %arg7[%get3A_116, %get3A_117] {strides = array<i32>} : memref<2x128xi32, #tpu.memory_space<vmem>>, vector<16xi32>,
      tpu.vector_store_idx %arg11[%get3A_118], %broadcast_in_dim3A_19 {add = true} : memref<10000xf32, #tpu.memory_space<vmem>>[vector<16xi32>], vector<16xf32>,
      %get3A_119 = arith.constant 1 : i32
      %get3A_120 = arith.index_cast %get3A_119 : i32 to index
      %get3A_121 = arith.constant 48 : index
      %get3A_122 = tpu.vector_load %arg7[%get3A_120, %get3A_121] {strides = array<i32>} : memref<2x128xi32, #tpu.memory_space<vmem>>, vector<16xi32>,
      tpu.vector_store_idx %arg11[%get3A_122], %broadcast_in_dim3A_19 {add = true} : memref<10000xf32, #tpu.memory_space<vmem>>[vector<16xi32>], vector<16xf32>,
      %get3A_123 = arith.constant 1 : i32
      %get3A_124 = arith.index_cast %get3A_123 : i32 to index
      %get3A_125 = arith.constant 64 : index
      %get3A_126 = tpu.vector_load %arg7[%get3A_124, %get3A_125] {strides = array<i32>} : memref<2x128xi32, #tpu.memory_space<vmem>>, vector<16xi32>,
      tpu.vector_store_idx %arg11[%get3A_126], %broadcast_in_dim3A_19 {add = true} : memref<10000xf32, #tpu.memory_space<vmem>>[vector<16xi32>], vector<16xf32>,
      %get3A_127 = arith.constant 1 : i32
      %get3A_128 = arith.index_cast %get3A_127 : i32 to index
      %get3A_129 = arith.constant 80 : index
      %get3A_130 = tpu.vector_load %arg7[%get3A_128, %get3A_129] {strides = array<i32>} : memref<2x128xi32, #tpu.memory_space<vmem>>, vector<16xi32>,
      tpu.vector_store_idx %arg11[%get3A_130], %broadcast_in_dim3A_19 {add = true} : memref<10000xf32, #tpu.memory_space<vmem>>[vector<16xi32>], vector<16xf32>,
      %get3A_131 = arith.constant 1 : i32
      %get3A_132 = arith.index_cast %get3A_131 : i32 to index
      %get3A_133 = arith.constant 96 : index
      %get3A_134 = tpu.vector_load %arg7[%get3A_132, %get3A_133] {strides = array<i32>} : memref<2x128xi32, #tpu.memory_space<vmem>>, vector<16xi32>,
      tpu.vector_store_idx %arg11[%get3A_134], %broadcast_in_dim3A_19 {add = true} : memref<10000xf32, #tpu.memory_space<vmem>>[vector<16xi32>], vector<16xf32>,
      %get3A_135 = arith.constant 1 : i32
      %get3A_136 = arith.index_cast %get3A_135 : i32 to index
      %get3A_137 = arith.constant 112 : index
      %get3A_138 = tpu.vector_load %arg7[%get3A_136, %get3A_137] {strides = array<i32>} : memref<2x128xi32, #tpu.memory_space<vmem>>, vector<16xi32>,
      tpu.vector_store_idx %arg11[%get3A_138], %broadcast_in_dim3A_19 {add = true} : memref<10000xf32, #tpu.memory_space<vmem>>[vector<16xi32>], vector<16xf32>,
      %dma_wait3A_139 = arith.constant 0 : i32
      %dma_wait3A_140 = arith.constant 0 : i32
      %dma_wait3A_141 = tpu.memref_slice %arg8[%dma_wait3A_139, %dma_wait3A_140] : memref<2x128xi32, #tpu.memory_space<vmem>> -> memref<1x128xi32, #tpu.memory_space<vmem>>
      %dma_wait3A_142 = tpu.memref_squeeze %dma_wait3A_141 : memref<1x128xi32, #tpu.memory_space<vmem>> -> memref<128xi32, #tpu.memory_space<vmem>>
      %dma_wait3A_143 = arith.constant 0 : i32
      %dma_wait3A_144 = arith.constant 0 : i32
      %dma_wait3A_145 = tpu.memref_slice %arg2[%dma_wait3A_143, %dma_wait3A_144] : memref<10000x128xf32, #tpu.memory_space<hbm>> -> memref<10000x128xf32, #tpu.memory_space<hbm>>
      tpu.wait_indirect_dma semaphore(%arg13 : memref<!tpu.dma_semaphore, #tpu.memory_space<semaphore_mem>>) src(%dma_wait3A_145 : memref<10000x128xf32, #tpu.memory_space<hbm>>) dst(%arg10 : memref<128x128xf32, #tpu.memory_space<vmem>>)
      %dma_start3A_146 = arith.constant 1 : i32
      %dma_start3A_147 = arith.constant 0 : i32
      %dma_start3A_148 = tpu.memref_slice %arg8[%dma_start3A_146, %dma_start3A_147] : memref<2x128xi32, #tpu.memory_space<vmem>> -> memref<1x128xi32, #tpu.memory_space<vmem>>
      %dma_start3A_149 = tpu.memref_squeeze %dma_start3A_148 : memref<1x128xi32, #tpu.memory_space<vmem>> -> memref<128xi32, #tpu.memory_space<vmem>>
      %dma_start3A_150 = arith.constant 0 : i32
      %dma_start3A_151 = arith.constant 0 : i32
      %dma_start3A_152 = tpu.memref_slice %arg6[%dma_start3A_150, %dma_start3A_151] : memref<10000x128xf32, #tpu.memory_space<vmem_shared>> -> memref<10000x128xf32, #tpu.memory_space<vmem_shared>>
      tpu.enqueue_indirect_dma source(%arg10 : memref<128x128xf32, #tpu.memory_space<vmem>>) target(%dma_start3A_152 : memref<10000x128xf32, #tpu.memory_space<vmem_shared>>) offsets(%dma_start3A_149 : memref<128xi32, #tpu.memory_space<vmem>>) semaphore(%arg14 : memref<!tpu.dma_semaphore, #tpu.memory_space<semaphore_mem>>) {add = true}
      %get3A_153 = arith.constant 1 : i32
      %get3A_154 = arith.index_cast %get3A_153 : i32 to index
      %get3A_155 = arith.constant 0 : index
      %get3A_156 = tpu.vector_load %arg8[%get3A_154, %get3A_155] {strides = array<i32>} : memref<2x128xi32, #tpu.memory_space<vmem>>, vector<16xi32>,
      tpu.vector_store_idx %arg11[%get3A_156], %broadcast_in_dim3A_19 {add = true} : memref<10000xf32, #tpu.memory_space<vmem>>[vector<16xi32>], vector<16xf32>,
      %get3A_157 = arith.constant 1 : i32
      %get3A_158 = arith.index_cast %get3A_157 : i32 to index
      %get3A_159 = arith.constant 16 : index
      %get3A_160 = tpu.vector_load %arg8[%get3A_158, %get3A_159] {strides = array<i32>} : memref<2x128xi32, #tpu.memory_space<vmem>>, vector<16xi32>,
      tpu.vector_store_idx %arg11[%get3A_160], %broadcast_in_dim3A_19 {add = true} : memref<10000xf32, #tpu.memory_space<vmem>>[vector<16xi32>], vector<16xf32>,
      %get3A_161 = arith.constant 1 : i32
      %get3A_162 = arith.index_cast %get3A_161 : i32 to index
      %get3A_163 = arith.constant 32 : index
      %get3A_164 = tpu.vector_load %arg8[%get3A_162, %get3A_163] {strides = array<i32>} : memref<2x128xi32, #tpu.memory_space<vmem>>, vector<16xi32>,
      tpu.vector_store_idx %arg11[%get3A_164], %broadcast_in_dim3A_19 {add = true} : memref<10000xf32, #tpu.memory_space<vmem>>[vector<16xi32>], vector<16xf32>,
      %get3A_165 = arith.constant 1 : i32
      %get3A_166 = arith.index_cast %get3A_165 : i32 to index
      %get3A_167 = arith.constant 48 : index
      %get3A_168 = tpu.vector_load %arg8[%get3A_166, %get3A_167] {strides = array<i32>} : memref<2x128xi32, #tpu.memory_space<vmem>>, vector<16xi32>,
      tpu.vector_store_idx %arg11[%get3A_168], %broadcast_in_dim3A_19 {add = true} : memref<10000xf32, #tpu.memory_space<vmem>>[vector<16xi32>], vector<16xf32>,
      %get3A_169 = arith.constant 1 : i32
      %get3A_170 = arith.index_cast %get3A_169 : i32 to index
      %get3A_171 = arith.constant 64 : index
      %get3A_172 = tpu.vector_load %arg8[%get3A_170, %get3A_171] {strides = array<i32>} : memref<2x128xi32, #tpu.memory_space<vmem>>, vector<16xi32>,
      tpu.vector_store_idx %arg11[%get3A_172], %broadcast_in_dim3A_19 {add = true} : memref<10000xf32, #tpu.memory_space<vmem>>[vector<16xi32>], vector<16xf32>,
      %get3A_173 = arith.constant 1 : i32
      %get3A_174 = arith.index_cast %get3A_173 : i32 to index
      %get3A_175 = arith.constant 80 : index
      %get3A_176 = tpu.vector_load %arg8[%get3A_174, %get3A_175] {strides = array<i32>} : memref<2x128xi32, #tpu.memory_space<vmem>>, vector<16xi32>,
      tpu.vector_store_idx %arg11[%get3A_176], %broadcast_in_dim3A_19 {add = true} : memref<10000xf32, #tpu.memory_space<vmem>>[vector<16xi32>], vector<16xf32>,
      %get3A_177 = arith.constant 1 : i32
      %get3A_178 = arith.index_cast %get3A_177 : i32 to index
      %get3A_179 = arith.constant 96 : index
      %get3A_180 = tpu.vector_load %arg8[%get3A_178, %get3A_179] {strides = array<i32>} : memref<2x128xi32, #tpu.memory_space<vmem>>, vector<16xi32>,
      tpu.vector_store_idx %arg11[%get3A_180], %broadcast_in_dim3A_19 {add = true} : memref<10000xf32, #tpu.memory_space<vmem>>[vector<16xi32>], vector<16xf32>,
      %get3A_181 = arith.constant 1 : i32
      %get3A_182 = arith.index_cast %get3A_181 : i32 to index
      %get3A_183 = arith.constant 112 : index
      %get3A_184 = tpu.vector_load %arg8[%get3A_182, %get3A_183] {strides = array<i32>} : memref<2x128xi32, #tpu.memory_space<vmem>>, vector<16xi32>,
      tpu.vector_store_idx %arg11[%get3A_184], %broadcast_in_dim3A_19 {add = true} : memref<10000xf32, #tpu.memory_space<vmem>>[vector<16xi32>], vector<16xf32>,
      %dma_wait3A_185 = arith.constant 1 : i32
      %dma_wait3A_186 = arith.constant 0 : i32
      %dma_wait3A_187 = tpu.memref_slice %arg7[%dma_wait3A_185, %dma_wait3A_186] : memref<2x128xi32, #tpu.memory_space<vmem>> -> memref<1x128xi32, #tpu.memory_space<vmem>>
      %dma_wait3A_188 = tpu.memref_squeeze %dma_wait3A_187 : memref<1x128xi32, #tpu.memory_space<vmem>> -> memref<128xi32, #tpu.memory_space<vmem>>
      %dma_wait3A_189 = arith.constant 0 : i32
      %dma_wait3A_190 = arith.constant 0 : i32
      %dma_wait3A_191 = tpu.memref_slice %arg6[%dma_wait3A_189, %dma_wait3A_190] : memref<10000x128xf32, #tpu.memory_space<vmem_shared>> -> memref<10000x128xf32, #tpu.memory_space<vmem_shared>>
      tpu.wait_indirect_dma semaphore(%arg14 : memref<!tpu.dma_semaphore, #tpu.memory_space<semaphore_mem>>) src(%arg9 : memref<128x128xf32, #tpu.memory_space<vmem>>) dst(%dma_wait3A_191 : memref<10000x128xf32, #tpu.memory_space<vmem_shared>>)
      %dma_wait3A_192 = arith.constant 1 : i32
      %dma_wait3A_193 = arith.constant 0 : i32
      %dma_wait3A_194 = tpu.memref_slice %arg8[%dma_wait3A_192, %dma_wait3A_193] : memref<2x128xi32, #tpu.memory_space<vmem>> -> memref<1x128xi32, #tpu.memory_space<vmem>>
      %dma_wait3A_195 = tpu.memref_squeeze %dma_wait3A_194 : memref<1x128xi32, #tpu.memory_space<vmem>> -> memref<128xi32, #tpu.memory_space<vmem>>
      %dma_wait3A_196 = arith.constant 0 : i32
      %dma_wait3A_197 = arith.constant 0 : i32
      %dma_wait3A_198 = tpu.memref_slice %arg6[%dma_wait3A_196, %dma_wait3A_197] : memref<10000x128xf32, #tpu.memory_space<vmem_shared>> -> memref<10000x128xf32, #tpu.memory_space<vmem_shared>>
      tpu.wait_indirect_dma semaphore(%arg14 : memref<!tpu.dma_semaphore, #tpu.memory_space<semaphore_mem>>) src(%arg10 : memref<128x128xf32, #tpu.memory_space<vmem>>) dst(%dma_wait3A_198 : memref<10000x128xf32, #tpu.memory_space<vmem_shared>>)
    }
    %scan3A_36 = arith.constant 39 : i32
    %eq3A_37 = arith.constant 15 : i32
    %eq3A_38 = arith.cmpi eq, %arg1, %eq3A_37 : i32
    %convert_element_type3A_39 = arith.extui %eq3A_38 : i1 to i32
    %cond3A_40 = arith.constant 0 : i32
    %cond3A_41 = arith.cmpi ne, %convert_element_type3A_39, %cond3A_40 : i32
    scf.if %cond3A_41 {
      %add3A_53 = arith.constant 9984 : i32
      %add3A_54 = arith.addi %add3A_30, %add3A_53 : i32
      %dma_start3A = arith.constant 0 : i32
      %dma_start3A_55 = tpu.memref_slice %arg3[%dma_start3A, %add3A_54] : memref<2x320000xi32, #tpu.memory_space<hbm>> -> memref<2x128xi32, #tpu.memory_space<hbm>>
      %dma_start3A_56 = arith.constant 0 : i32
      %dma_start3A_57 = tpu.memref_slice %arg3[%dma_start3A_56, %add3A_54] : memref<2x320000xi32, #tpu.memory_space<hbm>> -> memref<2x128xi32, #tpu.memory_space<hbm>>
      tpu.enqueue_dma source(%dma_start3A_57 : memref<2x128xi32, #tpu.memory_space<hbm>>) target(%arg7 : memref<2x128xi32, #tpu.memory_space<vmem>>) target_semaphore(%arg12 : memref<!tpu.dma_semaphore, #tpu.memory_space<semaphore_mem>>)
      %add3A_58 = arith.constant 10112 : i32
      %add3A_59 = arith.addi %add3A_30, %add3A_58 : i32
      %dma_start3A_60 = arith.constant 0 : i32
      %dma_start3A_61 = tpu.memref_slice %arg3[%dma_start3A_60, %add3A_59] : memref<2x320000xi32, #tpu.memory_space<hbm>> -> memref<2x128xi32, #tpu.memory_space<hbm>>
      %dma_start3A_62 = arith.constant 0 : i32
      %dma_start3A_63 = tpu.memref_slice %arg3[%dma_start3A_62, %add3A_59] : memref<2x320000xi32, #tpu.memory_space<hbm>> -> memref<2x128xi32, #tpu.memory_space<hbm>>
      tpu.enqueue_dma source(%dma_start3A_63 : memref<2x128xi32, #tpu.memory_space<hbm>>) target(%arg8 : memref<2x128xi32, #tpu.memory_space<vmem>>) target_semaphore(%arg12 : memref<!tpu.dma_semaphore, #tpu.memory_space<semaphore_mem>>)
      %dma_wait3A = arith.constant 0 : i32
      %dma_wait3A_64 = tpu.memref_slice %arg3[%dma_wait3A, %add3A_54] : memref<2x320000xi32, #tpu.memory_space<hbm>> -> memref<2x128xi32, #tpu.memory_space<hbm>>
      %dma_wait3A_65 = arith.constant 0 : i32
      %dma_wait3A_66 = tpu.memref_slice %arg3[%dma_wait3A_65, %add3A_54] : memref<2x320000xi32, #tpu.memory_space<hbm>> -> memref<2x128xi32, #tpu.memory_space<hbm>>
      tpu.wait_dma2 semaphore(%arg12 : memref<!tpu.dma_semaphore, #tpu.memory_space<semaphore_mem>>) src(%dma_wait3A_66 : memref<2x128xi32, #tpu.memory_space<hbm>>) dst(%arg7 : memref<2x128xi32, #tpu.memory_space<vmem>>)
      %dma_start3A_67 = arith.constant 0 : i32
      %dma_start3A_68 = arith.constant 0 : i32
      %dma_start3A_69 = tpu.memref_slice %arg7[%dma_start3A_67, %dma_start3A_68] : memref<2x128xi32, #tpu.memory_space<vmem>> -> memref<1x128xi32, #tpu.memory_space<vmem>>
      %dma_start3A_70 = tpu.memref_squeeze %dma_start3A_69 : memref<1x128xi32, #tpu.memory_space<vmem>> -> memref<128xi32, #tpu.memory_space<vmem>>
      %dma_start3A_71 = arith.constant 0 : i32
      %dma_start3A_72 = arith.constant 0 : i32
      %dma_start3A_73 = tpu.memref_slice %arg2[%dma_start3A_71, %dma_start3A_72] : memref<10000x128xf32, #tpu.memory_space<hbm>> -> memref<10000x128xf32, #tpu.memory_space<hbm>>
      tpu.enqueue_indirect_dma source(%dma_start3A_73 : memref<10000x128xf32, #tpu.memory_space<hbm>>) target(%arg9 : memref<128x128xf32, #tpu.memory_space<vmem>>) offsets(%dma_start3A_70 : memref<128xi32, #tpu.memory_space<vmem>>) semaphore(%arg13 : memref<!tpu.dma_semaphore, #tpu.memory_space<semaphore_mem>>)
      %dma_wait3A_74 = arith.constant 0 : i32
      %dma_wait3A_75 = tpu.memref_slice %arg3[%dma_wait3A_74, %add3A_59] : memref<2x320000xi32, #tpu.memory_space<hbm>> -> memref<2x128xi32, #tpu.memory_space<hbm>>
      %dma_wait3A_76 = arith.constant 0 : i32
      %dma_wait3A_77 = tpu.memref_slice %arg3[%dma_wait3A_76, %add3A_59] : memref<2x320000xi32, #tpu.memory_space<hbm>> -> memref<2x128xi32, #tpu.memory_space<hbm>>
      tpu.wait_dma2 semaphore(%arg12 : memref<!tpu.dma_semaphore, #tpu.memory_space<semaphore_mem>>) src(%dma_wait3A_77 : memref<2x128xi32, #tpu.memory_space<hbm>>) dst(%arg8 : memref<2x128xi32, #tpu.memory_space<vmem>>)
      %dma_start3A_78 = arith.constant 0 : i32
      %dma_start3A_79 = arith.constant 0 : i32
      %dma_start3A_80 = tpu.memref_slice %arg8[%dma_start3A_78, %dma_start3A_79] : memref<2x128xi32, #tpu.memory_space<vmem>> -> memref<1x128xi32, #tpu.memory_space<vmem>>
      %dma_start3A_81 = tpu.memref_squeeze %dma_start3A_80 : memref<1x128xi32, #tpu.memory_space<vmem>> -> memref<128xi32, #tpu.memory_space<vmem>>
      %dma_start3A_82 = arith.constant 0 : i32
      %dma_start3A_83 = arith.constant 0 : i32
      %dma_start3A_84 = tpu.memref_slice %arg2[%dma_start3A_82, %dma_start3A_83] : memref<10000x128xf32, #tpu.memory_space<hbm>> -> memref<10000x128xf32, #tpu.memory_space<hbm>>
      tpu.enqueue_indirect_dma source(%dma_start3A_84 : memref<10000x128xf32, #tpu.memory_space<hbm>>) target(%arg10 : memref<128x128xf32, #tpu.memory_space<vmem>>) offsets(%dma_start3A_81 : memref<128xi32, #tpu.memory_space<vmem>>) semaphore(%arg13 : memref<!tpu.dma_semaphore, #tpu.memory_space<semaphore_mem>>)
      %dma_wait3A_85 = arith.constant 0 : i32
      %dma_wait3A_86 = arith.constant 0 : i32
      %dma_wait3A_87 = tpu.memref_slice %arg7[%dma_wait3A_85, %dma_wait3A_86] : memref<2x128xi32, #tpu.memory_space<vmem>> -> memref<1x128xi32, #tpu.memory_space<vmem>>
      %dma_wait3A_88 = tpu.memref_squeeze %dma_wait3A_87 : memref<1x128xi32, #tpu.memory_space<vmem>> -> memref<128xi32, #tpu.memory_space<vmem>>
      %dma_wait3A_89 = arith.constant 0 : i32
      %dma_wait3A_90 = arith.constant 0 : i32
      %dma_wait3A_91 = tpu.memref_slice %arg2[%dma_wait3A_89, %dma_wait3A_90] : memref<10000x128xf32, #tpu.memory_space<hbm>> -> memref<10000x128xf32, #tpu.memory_space<hbm>>
      tpu.wait_indirect_dma semaphore(%arg13 : memref<!tpu.dma_semaphore, #tpu.memory_space<semaphore_mem>>) src(%dma_wait3A_91 : memref<10000x128xf32, #tpu.memory_space<hbm>>) dst(%arg9 : memref<128x128xf32, #tpu.memory_space<vmem>>)
      %dma_start3A_92 = arith.constant 1 : i32
      %dma_start3A_93 = arith.constant 0 : i32
      %dma_start3A_94 = tpu.memref_slice %arg7[%dma_start3A_92, %dma_start3A_93] : memref<2x128xi32, #tpu.memory_space<vmem>> -> memref<1x128xi32, #tpu.memory_space<vmem>>
      %dma_start3A_95 = tpu.memref_squeeze %dma_start3A_94 : memref<1x128xi32, #tpu.memory_space<vmem>> -> memref<128xi32, #tpu.memory_space<vmem>>
      %dma_start3A_96 = arith.constant 0 : i32
      %dma_start3A_97 = arith.constant 0 : i32
      %dma_start3A_98 = tpu.memref_slice %arg6[%dma_start3A_96, %dma_start3A_97] : memref<10000x128xf32, #tpu.memory_space<vmem_shared>> -> memref<10000x128xf32, #tpu.memory_space<vmem_shared>>
      tpu.enqueue_indirect_dma source(%arg9 : memref<128x128xf32, #tpu.memory_space<vmem>>) target(%dma_start3A_98 : memref<10000x128xf32, #tpu.memory_space<vmem_shared>>) offsets(%dma_start3A_95 : memref<128xi32, #tpu.memory_space<vmem>>) semaphore(%arg14 : memref<!tpu.dma_semaphore, #tpu.memory_space<semaphore_mem>>) {add = true}
      %get3A = arith.constant 1 : i32
      %get3A_99 = arith.index_cast %get3A : i32 to index
      %get3A_100 = arith.constant 0 : index
      %get3A_101 = tpu.vector_load %arg7[%get3A_99, %get3A_100] {strides = array<i32>} : memref<2x128xi32, #tpu.memory_space<vmem>>, vector<16xi32>,
      tpu.vector_store_idx %arg11[%get3A_101], %broadcast_in_dim3A_19 {add = true} : memref<10000xf32, #tpu.memory_space<vmem>>[vector<16xi32>], vector<16xf32>,
      %get3A_102 = arith.constant 1 : i32
      %get3A_103 = arith.index_cast %get3A_102 : i32 to index
      %get3A_104 = arith.constant 16 : index
      %get3A_105 = tpu.vector_load %arg7[%get3A_103, %get3A_104] {strides = array<i32>} : memref<2x128xi32, #tpu.memory_space<vmem>>, vector<16xi32>,
      tpu.vector_store_idx %arg11[%get3A_105], %broadcast_in_dim3A_19 {add = true} : memref<10000xf32, #tpu.memory_space<vmem>>[vector<16xi32>], vector<16xf32>,
      %get3A_106 = arith.constant 1 : i32
      %get3A_107 = arith.index_cast %get3A_106 : i32 to index
      %get3A_108 = arith.constant 32 : index
      %get3A_109 = tpu.vector_load %arg7[%get3A_107, %get3A_108] {strides = array<i32>} : memref<2x128xi32, #tpu.memory_space<vmem>>, vector<16xi32>,
      tpu.vector_store_idx %arg11[%get3A_109], %broadcast_in_dim3A_19 {add = true} : memref<10000xf32, #tpu.memory_space<vmem>>[vector<16xi32>], vector<16xf32>,
      %get3A_110 = arith.constant 1 : i32
      %get3A_111 = arith.index_cast %get3A_110 : i32 to index
      %get3A_112 = arith.constant 48 : index
      %get3A_113 = tpu.vector_load %arg7[%get3A_111, %get3A_112] {strides = array<i32>} : memref<2x128xi32, #tpu.memory_space<vmem>>, vector<16xi32>,
      tpu.vector_store_idx %arg11[%get3A_113], %broadcast_in_dim3A_19 {add = true} : memref<10000xf32, #tpu.memory_space<vmem>>[vector<16xi32>], vector<16xf32>,
      %get3A_114 = arith.constant 1 : i32
      %get3A_115 = arith.index_cast %get3A_114 : i32 to index
      %get3A_116 = arith.constant 64 : index
      %get3A_117 = tpu.vector_load %arg7[%get3A_115, %get3A_116] {strides = array<i32>} : memref<2x128xi32, #tpu.memory_space<vmem>>, vector<16xi32>,
      tpu.vector_store_idx %arg11[%get3A_117], %broadcast_in_dim3A_19 {add = true} : memref<10000xf32, #tpu.memory_space<vmem>>[vector<16xi32>], vector<16xf32>,
      %get3A_118 = arith.constant 1 : i32
      %get3A_119 = arith.index_cast %get3A_118 : i32 to index
      %get3A_120 = arith.constant 80 : index
      %get3A_121 = tpu.vector_load %arg7[%get3A_119, %get3A_120] {strides = array<i32>} : memref<2x128xi32, #tpu.memory_space<vmem>>, vector<16xi32>,
      tpu.vector_store_idx %arg11[%get3A_121], %broadcast_in_dim3A_19 {add = true} : memref<10000xf32, #tpu.memory_space<vmem>>[vector<16xi32>], vector<16xf32>,
      %get3A_122 = arith.constant 1 : i32
      %get3A_123 = arith.index_cast %get3A_122 : i32 to index
      %get3A_124 = arith.constant 96 : index
      %get3A_125 = tpu.vector_load %arg7[%get3A_123, %get3A_124] {strides = array<i32>} : memref<2x128xi32, #tpu.memory_space<vmem>>, vector<16xi32>,
      tpu.vector_store_idx %arg11[%get3A_125], %broadcast_in_dim3A_19 {add = true} : memref<10000xf32, #tpu.memory_space<vmem>>[vector<16xi32>], vector<16xf32>,
      %get3A_126 = arith.constant 1 : i32
      %get3A_127 = arith.index_cast %get3A_126 : i32 to index
      %get3A_128 = arith.constant 112 : index
      %get3A_129 = tpu.vector_load %arg7[%get3A_127, %get3A_128] {strides = array<i32>} : memref<2x128xi32, #tpu.memory_space<vmem>>, vector<16xi32>,
      tpu.vector_store_idx %arg11[%get3A_129], %broadcast_in_dim3A_19 {add = true} : memref<10000xf32, #tpu.memory_space<vmem>>[vector<16xi32>], vector<16xf32>,
      %dma_wait3A_130 = arith.constant 0 : i32
      %dma_wait3A_131 = arith.constant 0 : i32
      %dma_wait3A_132 = tpu.memref_slice %arg8[%dma_wait3A_130, %dma_wait3A_131] : memref<2x128xi32, #tpu.memory_space<vmem>> -> memref<1x128xi32, #tpu.memory_space<vmem>>
      %dma_wait3A_133 = tpu.memref_squeeze %dma_wait3A_132 : memref<1x128xi32, #tpu.memory_space<vmem>> -> memref<128xi32, #tpu.memory_space<vmem>>
      %dma_wait3A_134 = arith.constant 0 : i32
      %dma_wait3A_135 = arith.constant 0 : i32
      %dma_wait3A_136 = tpu.memref_slice %arg2[%dma_wait3A_134, %dma_wait3A_135] : memref<10000x128xf32, #tpu.memory_space<hbm>> -> memref<10000x128xf32, #tpu.memory_space<hbm>>
      tpu.wait_indirect_dma semaphore(%arg13 : memref<!tpu.dma_semaphore, #tpu.memory_space<semaphore_mem>>) src(%dma_wait3A_136 : memref<10000x128xf32, #tpu.memory_space<hbm>>) dst(%arg10 : memref<128x128xf32, #tpu.memory_space<vmem>>)
      %dma_start3A_137 = arith.constant 1 : i32
      %dma_start3A_138 = arith.constant 0 : i32
      %dma_start3A_139 = tpu.memref_slice %arg8[%dma_start3A_137, %dma_start3A_138] : memref<2x128xi32, #tpu.memory_space<vmem>> -> memref<1x128xi32, #tpu.memory_space<vmem>>
      %dma_start3A_140 = tpu.memref_squeeze %dma_start3A_139 : memref<1x128xi32, #tpu.memory_space<vmem>> -> memref<128xi32, #tpu.memory_space<vmem>>
      %dma_start3A_141 = arith.constant 0 : i32
      %dma_start3A_142 = arith.constant 0 : i32
      %dma_start3A_143 = tpu.memref_slice %arg6[%dma_start3A_141, %dma_start3A_142] : memref<10000x128xf32, #tpu.memory_space<vmem_shared>> -> memref<10000x128xf32, #tpu.memory_space<vmem_shared>>
      tpu.enqueue_indirect_dma source(%arg10 : memref<128x128xf32, #tpu.memory_space<vmem>>) target(%dma_start3A_143 : memref<10000x128xf32, #tpu.memory_space<vmem_shared>>) offsets(%dma_start3A_140 : memref<128xi32, #tpu.memory_space<vmem>>) semaphore(%arg14 : memref<!tpu.dma_semaphore, #tpu.memory_space<semaphore_mem>>) {add = true}
      %get3A_144 = arith.constant 1 : i32
      %get3A_145 = arith.index_cast %get3A_144 : i32 to index
      %get3A_146 = arith.constant 0 : index
      %get3A_147 = tpu.vector_load %arg8[%get3A_145, %get3A_146] {strides = array<i32>} : memref<2x128xi32, #tpu.memory_space<vmem>>, vector<16xi32>,
      tpu.vector_store_idx %arg11[%get3A_147], %broadcast_in_dim3A_19 {add = true} : memref<10000xf32, #tpu.memory_space<vmem>>[vector<16xi32>], vector<16xf32>,
      %get3A_148 = arith.constant 1 : i32
      %get3A_149 = arith.index_cast %get3A_148 : i32 to index
      %get3A_150 = arith.constant 16 : index
      %get3A_151 = tpu.vector_load %arg8[%get3A_149, %get3A_150] {strides = array<i32>} : memref<2x128xi32, #tpu.memory_space<vmem>>, vector<16xi32>,
      tpu.vector_store_idx %arg11[%get3A_151], %broadcast_in_dim3A_19 {add = true} : memref<10000xf32, #tpu.memory_space<vmem>>[vector<16xi32>], vector<16xf32>,
      %get3A_152 = arith.constant 1 : i32
      %get3A_153 = arith.index_cast %get3A_152 : i32 to index
      %get3A_154 = arith.constant 32 : index
      %get3A_155 = tpu.vector_load %arg8[%get3A_153, %get3A_154] {strides = array<i32>} : memref<2x128xi32, #tpu.memory_space<vmem>>, vector<16xi32>,
      tpu.vector_store_idx %arg11[%get3A_155], %broadcast_in_dim3A_19 {add = true} : memref<10000xf32, #tpu.memory_space<vmem>>[vector<16xi32>], vector<16xf32>,
      %get3A_156 = arith.constant 1 : i32
      %get3A_157 = arith.index_cast %get3A_156 : i32 to index
      %get3A_158 = arith.constant 48 : index
      %get3A_159 = tpu.vector_load %arg8[%get3A_157, %get3A_158] {strides = array<i32>} : memref<2x128xi32, #tpu.memory_space<vmem>>, vector<16xi32>,
      tpu.vector_store_idx %arg11[%get3A_159], %broadcast_in_dim3A_19 {add = true} : memref<10000xf32, #tpu.memory_space<vmem>>[vector<16xi32>], vector<16xf32>,
      %get3A_160 = arith.constant 1 : i32
      %get3A_161 = arith.index_cast %get3A_160 : i32 to index
      %get3A_162 = arith.constant 64 : index
      %get3A_163 = tpu.vector_load %arg8[%get3A_161, %get3A_162] {strides = array<i32>} : memref<2x128xi32, #tpu.memory_space<vmem>>, vector<16xi32>,
      tpu.vector_store_idx %arg11[%get3A_163], %broadcast_in_dim3A_19 {add = true} : memref<10000xf32, #tpu.memory_space<vmem>>[vector<16xi32>], vector<16xf32>,
      %get3A_164 = arith.constant 1 : i32
      %get3A_165 = arith.index_cast %get3A_164 : i32 to index
      %get3A_166 = arith.constant 80 : index
      %get3A_167 = tpu.vector_load %arg8[%get3A_165, %get3A_166] {strides = array<i32>} : memref<2x128xi32, #tpu.memory_space<vmem>>, vector<16xi32>,
      tpu.vector_store_idx %arg11[%get3A_167], %broadcast_in_dim3A_19 {add = true} : memref<10000xf32, #tpu.memory_space<vmem>>[vector<16xi32>], vector<16xf32>,
      %get3A_168 = arith.constant 1 : i32
      %get3A_169 = arith.index_cast %get3A_168 : i32 to index
      %get3A_170 = arith.constant 96 : index
      %get3A_171 = tpu.vector_load %arg8[%get3A_169, %get3A_170] {strides = array<i32>} : memref<2x128xi32, #tpu.memory_space<vmem>>, vector<16xi32>,
      tpu.vector_store_idx %arg11[%get3A_171], %broadcast_in_dim3A_19 {add = true} : memref<10000xf32, #tpu.memory_space<vmem>>[vector<16xi32>], vector<16xf32>,
      %get3A_172 = arith.constant 1 : i32
      %get3A_173 = arith.index_cast %get3A_172 : i32 to index
      %get3A_174 = arith.constant 112 : index
      %get3A_175 = tpu.vector_load %arg8[%get3A_173, %get3A_174] {strides = array<i32>} : memref<2x128xi32, #tpu.memory_space<vmem>>, vector<16xi32>,
      tpu.vector_store_idx %arg11[%get3A_175], %broadcast_in_dim3A_19 {add = true} : memref<10000xf32, #tpu.memory_space<vmem>>[vector<16xi32>], vector<16xf32>,
      %dma_wait3A_176 = arith.constant 1 : i32
      %dma_wait3A_177 = arith.constant 0 : i32
      %dma_wait3A_178 = tpu.memref_slice %arg7[%dma_wait3A_176, %dma_wait3A_177] : memref<2x128xi32, #tpu.memory_space<vmem>> -> memref<1x128xi32, #tpu.memory_space<vmem>>
      %dma_wait3A_179 = tpu.memref_squeeze %dma_wait3A_178 : memref<1x128xi32, #tpu.memory_space<vmem>> -> memref<128xi32, #tpu.memory_space<vmem>>
      %dma_wait3A_180 = arith.constant 0 : i32
      %dma_wait3A_181 = arith.constant 0 : i32
      %dma_wait3A_182 = tpu.memref_slice %arg6[%dma_wait3A_180, %dma_wait3A_181] : memref<10000x128xf32, #tpu.memory_space<vmem_shared>> -> memref<10000x128xf32, #tpu.memory_space<vmem_shared>>
      tpu.wait_indirect_dma semaphore(%arg14 : memref<!tpu.dma_semaphore, #tpu.memory_space<semaphore_mem>>) src(%arg9 : memref<128x128xf32, #tpu.memory_space<vmem>>) dst(%dma_wait3A_182 : memref<10000x128xf32, #tpu.memory_space<vmem_shared>>)
      %dma_wait3A_183 = arith.constant 1 : i32
      %dma_wait3A_184 = arith.constant 0 : i32
      %dma_wait3A_185 = tpu.memref_slice %arg8[%dma_wait3A_183, %dma_wait3A_184] : memref<2x128xi32, #tpu.memory_space<vmem>> -> memref<1x128xi32, #tpu.memory_space<vmem>>
      %dma_wait3A_186 = tpu.memref_squeeze %dma_wait3A_185 : memref<1x128xi32, #tpu.memory_space<vmem>> -> memref<128xi32, #tpu.memory_space<vmem>>
      %dma_wait3A_187 = arith.constant 0 : i32
      %dma_wait3A_188 = arith.constant 0 : i32
      %dma_wait3A_189 = tpu.memref_slice %arg6[%dma_wait3A_187, %dma_wait3A_188] : memref<10000x128xf32, #tpu.memory_space<vmem_shared>> -> memref<10000x128xf32, #tpu.memory_space<vmem_shared>>
      tpu.wait_indirect_dma semaphore(%arg14 : memref<!tpu.dma_semaphore, #tpu.memory_space<semaphore_mem>>) src(%arg10 : memref<128x128xf32, #tpu.memory_space<vmem>>) dst(%dma_wait3A_189 : memref<10000x128xf32, #tpu.memory_space<vmem_shared>>)
    } else {
    }
    %mul3A_42 = arith.constant 16 : i32
    %mul3A_43 = arith.muli %arg0, %mul3A_42 : i32
    %add3A_44 = arith.addi %mul3A_43, %arg1 : i32
    %run_scoped3A = arith.constant 0 : i32
    "tpu.region"() ({
      %run_scoped3A_53 = tpu.sem_alloc : memref<!tpu.dma_semaphore, #tpu.memory_space<semaphore_mem>>
      %dma_start3A = arith.constant 0 : i32
      %dma_start3A_54 = tpu.memref_slice %arg5[%add3A_44, %run_scoped3A, %dma_start3A] : memref<32x1x10000xf32, #tpu.memory_space<hbm>> -> memref<1x1x10000xf32, #tpu.memory_space<hbm>>
      %dma_start3A_55 = tpu.memref_squeeze %dma_start3A_54 : memref<1x1x10000xf32, #tpu.memory_space<hbm>> -> memref<10000xf32, #tpu.memory_space<hbm>>
      %dma_start3A_56 = arith.constant 0 : i32
      %dma_start3A_57 = tpu.memref_slice %arg5[%add3A_44, %run_scoped3A, %dma_start3A_56] : memref<32x1x10000xf32, #tpu.memory_space<hbm>> -> memref<1x1x10000xf32, #tpu.memory_space<hbm>>
      %dma_start3A_58 = tpu.memref_squeeze %dma_start3A_57 : memref<1x1x10000xf32, #tpu.memory_space<hbm>> -> memref<10000xf32, #tpu.memory_space<hbm>>
      tpu.enqueue_dma source(%arg11 : memref<10000xf32, #tpu.memory_space<vmem>>) target(%dma_start3A_58 : memref<10000xf32, #tpu.memory_space<hbm>>) target_semaphore(%run_scoped3A_53 : memref<!tpu.dma_semaphore, #tpu.memory_space<semaphore_mem>>)
      %dma_wait3A = arith.constant 0 : i32
      %dma_wait3A_59 = tpu.memref_slice %arg5[%add3A_44, %run_scoped3A, %dma_wait3A] : memref<32x1x10000xf32, #tpu.memory_space<hbm>> -> memref<1x1x10000xf32, #tpu.memory_space<hbm>>
      %dma_wait3A_60 = tpu.memref_squeeze %dma_wait3A_59 : memref<1x1x10000xf32, #tpu.memory_space<hbm>> -> memref<10000xf32, #tpu.memory_space<hbm>>
      %dma_wait3A_61 = arith.constant 0 : i32
      %dma_wait3A_62 = tpu.memref_slice %arg5[%add3A_44, %run_scoped3A, %dma_wait3A_61] : memref<32x1x10000xf32, #tpu.memory_space<hbm>> -> memref<1x1x10000xf32, #tpu.memory_space<hbm>>
      %dma_wait3A_63 = tpu.memref_squeeze %dma_wait3A_62 : memref<1x1x10000xf32, #tpu.memory_space<hbm>> -> memref<10000xf32, #tpu.memory_space<hbm>>
      tpu.wait_dma2 semaphore(%run_scoped3A_53 : memref<!tpu.dma_semaphore, #tpu.memory_space<semaphore_mem>>) src(%arg11 : memref<10000xf32, #tpu.memory_space<vmem>>) dst(%dma_wait3A_63 : memref<10000xf32, #tpu.memory_space<hbm>>)
      tpu.yield
    }) : () -> ()
    %barrier3A_45 = arith.constant 0 : index
    tpu.barrier barrier_id(%barrier3A_45)
    %mul3A_46 = arith.constant 624 : i32
    %mul3A_47 = arith.muli %arg1, %mul3A_46 : i32
    "tpu.region"() ({
      %run_scoped3A_53 = tpu.sem_alloc : memref<!tpu.dma_semaphore, #tpu.memory_space<semaphore_mem>>
      %dma_start3A = arith.constant 0 : i32
      %dma_start3A_54 = tpu.memref_slice %arg4[%arg0, %mul3A_47, %dma_start3A] : memref<2x10000x128xf32, #tpu.memory_space<hbm>> -> memref<1x624x128xf32, #tpu.memory_space<hbm>>
      %dma_start3A_55 = tpu.memref_squeeze %dma_start3A_54 : memref<1x624x128xf32, #tpu.memory_space<hbm>> -> memref<624x128xf32, #tpu.memory_space<hbm>>
      %dma_start3A_56 = arith.constant 0 : i32
      %dma_start3A_57 = tpu.memref_slice %arg6[%mul3A_47, %dma_start3A_56] : memref<10000x128xf32, #tpu.memory_space<vmem_shared>> -> memref<624x128xf32, #tpu.memory_space<vmem_shared>>
      tpu.enqueue_dma source(%dma_start3A_57 : memref<624x128xf32, #tpu.memory_space<vmem_shared>>) target(%dma_start3A_55 : memref<624x128xf32, #tpu.memory_space<hbm>>) target_semaphore(%run_scoped3A_53 : memref<!tpu.dma_semaphore, #tpu.memory_space<semaphore_mem>>)
      %dma_wait3A = arith.constant 0 : i32
      %dma_wait3A_58 = tpu.memref_slice %arg4[%arg0, %mul3A_47, %dma_wait3A] : memref<2x10000x128xf32, #tpu.memory_space<hbm>> -> memref<1x624x128xf32, #tpu.memory_space<hbm>>
      %dma_wait3A_59 = tpu.memref_squeeze %dma_wait3A_58 : memref<1x624x128xf32, #tpu.memory_space<hbm>> -> memref<624x128xf32, #tpu.memory_space<hbm>>
      %dma_wait3A_60 = arith.constant 0 : i32
      %dma_wait3A_61 = tpu.memref_slice %arg6[%mul3A_47, %dma_wait3A_60] : memref<10000x128xf32, #tpu.memory_space<vmem_shared>> -> memref<624x128xf32, #tpu.memory_space<vmem_shared>>
      tpu.wait_dma2 semaphore(%run_scoped3A_53 : memref<!tpu.dma_semaphore, #tpu.memory_space<semaphore_mem>>) src(%dma_wait3A_61 : memref<624x128xf32, #tpu.memory_space<vmem_shared>>) dst(%dma_wait3A_59 : memref<624x128xf32, #tpu.memory_space<hbm>>)
      tpu.yield
    }) : () -> ()
    %eq3A_48 = arith.constant 0 : i32
    %eq3A_49 = arith.cmpi eq, %arg1, %eq3A_48 : i32
    %convert_element_type3A_50 = arith.extui %eq3A_49 : i1 to i32
    %cond3A_51 = arith.constant 0 : i32
    %cond3A_52 = arith.cmpi ne, %convert_element_type3A_50, %cond3A_51 : i32
    scf.if %cond3A_52 {
      "tpu.region"() ({
        %run_scoped3A_53 = tpu.sem_alloc : memref<!tpu.dma_semaphore, #tpu.memory_space<semaphore_mem>>
        %dma_start3A = arith.constant 9984 : i32
        %dma_start3A_54 = arith.constant 0 : i32
        %dma_start3A_55 = tpu.memref_slice %arg4[%arg0, %dma_start3A, %dma_start3A_54] : memref<2x10000x128xf32, #tpu.memory_space<hbm>> -> memref<1x16x128xf32, #tpu.memory_space<hbm>>
        %dma_start3A_56 = tpu.memref_squeeze %dma_start3A_55 : memref<1x16x128xf32, #tpu.memory_space<hbm>> -> memref<16x128xf32, #tpu.memory_space<hbm>>
        %dma_start3A_57 = arith.constant 9984 : i32
        %dma_start3A_58 = arith.constant 0 : i32
        %dma_start3A_59 = tpu.memref_slice %arg6[%dma_start3A_57, %dma_start3A_58] : memref<10000x128xf32, #tpu.memory_space<vmem_shared>> -> memref<16x128xf32, #tpu.memory_space<vmem_shared>>
        tpu.enqueue_dma source(%dma_start3A_59 : memref<16x128xf32, #tpu.memory_space<vmem_shared>>) target(%dma_start3A_56 : memref<16x128xf32, #tpu.memory_space<hbm>>) target_semaphore(%run_scoped3A_53 : memref<!tpu.dma_semaphore, #tpu.memory_space<semaphore_mem>>)
        %dma_wait3A = arith.constant 9984 : i32
        %dma_wait3A_60 = arith.constant 0 : i32
        %dma_wait3A_61 = tpu.memref_slice %arg4[%arg0, %dma_wait3A, %dma_wait3A_60] : memref<2x10000x128xf32, #tpu.memory_space<hbm>> -> memref<1x16x128xf32, #tpu.memory_space<hbm>>
        %dma_wait3A_62 = tpu.memref_squeeze %dma_wait3A_61 : memref<1x16x128xf32, #tpu.memory_space<hbm>> -> memref<16x128xf32, #tpu.memory_space<hbm>>
        %dma_wait3A_63 = arith.constant 9984 : i32
        %dma_wait3A_64 = arith.constant 0 : i32
        %dma_wait3A_65 = tpu.memref_slice %arg6[%dma_wait3A_63, %dma_wait3A_64] : memref<10000x128xf32, #tpu.memory_space<vmem_shared>> -> memref<16x128xf32, #tpu.memory_space<vmem_shared>>
        tpu.wait_dma2 semaphore(%run_scoped3A_53 : memref<!tpu.dma_semaphore, #tpu.memory_space<semaphore_mem>>) src(%dma_wait3A_65 : memref<16x128xf32, #tpu.memory_space<vmem_shared>>) dst(%dma_wait3A_62 : memref<16x128xf32, #tpu.memory_space<hbm>>)
        tpu.yield
      }) : () -> ()
    } else {
    }
    return
  }
}

#map = affine_map<(d0, d1) -> (0, 0)>
#map1 = affine_map<(d0, d1) -> (0, 0, 0)>
module attributes {stable_mosaic.version = 14 : i64} {
  func.func @_sc_agg_body(%arg0: i32, %arg1: i32, %arg2: memref<10000x128xf32, #tpu.memory_space<hbm>>, %arg3: memref<2x320000xi32, #tpu.memory_space<hbm>>, %arg4: memref<2x10000x128xf32, #tpu.memory_space<hbm>>, %arg5: memref<10000x128xf32, #tpu.memory_space<vmem_shared>>, %arg6: memref<2x128xi32, #tpu.memory_space<vmem>>, %arg7: memref<2x128xi32, #tpu.memory_space<vmem>>, %arg8: memref<2x128xi32, #tpu.memory_space<vmem>>, %arg9: memref<128x128xf32, #tpu.memory_space<vmem>>, %arg10: memref<128x128xf32, #tpu.memory_space<vmem>>, %arg11: memref<128x128xf32, #tpu.memory_space<vmem>>, %arg12: memref<!tpu.dma_semaphore, #tpu.memory_space<semaphore_mem>>, %arg13: memref<!tpu.dma_semaphore, #tpu.memory_space<semaphore_mem>>, %arg14: memref<!tpu.dma_semaphore, #tpu.memory_space<semaphore_mem>>) attributes {dimension_semantics = [#tpu.dimension_semantics<core_parallel>, #tpu.dimension_semantics<subcore_parallel>], iteration_bounds = array<i64: 2, 16>, scalar_prefetch = 0 : i64, scratch_operands = 10 : i64, tpu.core_type = #tpu.core_type<sc_vector_subcore>, window_params = [{transform_indices = #map}, {transform_indices = #map}, {transform_indices = #map1}]} {
    %broadcast_in_dim3A = arith.constant 0.000000e+00 : f32
    %broadcast_in_dim3A_0 = vector.broadcast %broadcast_in_dim3A : f32 to vector<16xf32>
    %scan3A = arith.constant 0 : i32
    %scan3A_1 = arith.constant 0 : i32
    %scan3A_2 = arith.constant 128 : i32
    %scan3A_3 = arith.addi %scan3A_1, %scan3A_2 : i32
    %scan3A_4 = arith.constant 1 : i32
    scf.for %scan3A_44 = %scan3A_1 to %scan3A_3 step %scan3A_4  : i32 {
      %swap3A = arith.index_cast %scan3A_44 : i32 to index
      %swap3A_45 = arith.constant 0 : index
      %swap3A_46 = tpu.vector_load %arg9[%swap3A, %swap3A_45] {strides = array<i32>} : memref<128x128xf32, #tpu.memory_space<vmem>>, vector<16xf32>,
      tpu.vector_store %arg9[%swap3A, %swap3A_45], %broadcast_in_dim3A_0 {strides = array<i32>} : memref<128x128xf32, #tpu.memory_space<vmem>>, vector<16xf32>,
      %swap3A_47 = arith.index_cast %scan3A_44 : i32 to index
      %swap3A_48 = arith.constant 16 : index
      %swap3A_49 = tpu.vector_load %arg9[%swap3A_47, %swap3A_48] {strides = array<i32>} : memref<128x128xf32, #tpu.memory_space<vmem>>, vector<16xf32>,
      tpu.vector_store %arg9[%swap3A_47, %swap3A_48], %broadcast_in_dim3A_0 {strides = array<i32>} : memref<128x128xf32, #tpu.memory_space<vmem>>, vector<16xf32>,
      %swap3A_50 = arith.index_cast %scan3A_44 : i32 to index
      %swap3A_51 = arith.constant 32 : index
      %swap3A_52 = tpu.vector_load %arg9[%swap3A_50, %swap3A_51] {strides = array<i32>} : memref<128x128xf32, #tpu.memory_space<vmem>>, vector<16xf32>,
      tpu.vector_store %arg9[%swap3A_50, %swap3A_51], %broadcast_in_dim3A_0 {strides = array<i32>} : memref<128x128xf32, #tpu.memory_space<vmem>>, vector<16xf32>,
      %swap3A_53 = arith.index_cast %scan3A_44 : i32 to index
      %swap3A_54 = arith.constant 48 : index
      %swap3A_55 = tpu.vector_load %arg9[%swap3A_53, %swap3A_54] {strides = array<i32>} : memref<128x128xf32, #tpu.memory_space<vmem>>, vector<16xf32>,
      tpu.vector_store %arg9[%swap3A_53, %swap3A_54], %broadcast_in_dim3A_0 {strides = array<i32>} : memref<128x128xf32, #tpu.memory_space<vmem>>, vector<16xf32>,
      %swap3A_56 = arith.index_cast %scan3A_44 : i32 to index
      %swap3A_57 = arith.constant 64 : index
      %swap3A_58 = tpu.vector_load %arg9[%swap3A_56, %swap3A_57] {strides = array<i32>} : memref<128x128xf32, #tpu.memory_space<vmem>>, vector<16xf32>,
      tpu.vector_store %arg9[%swap3A_56, %swap3A_57], %broadcast_in_dim3A_0 {strides = array<i32>} : memref<128x128xf32, #tpu.memory_space<vmem>>, vector<16xf32>,
      %swap3A_59 = arith.index_cast %scan3A_44 : i32 to index
      %swap3A_60 = arith.constant 80 : index
      %swap3A_61 = tpu.vector_load %arg9[%swap3A_59, %swap3A_60] {strides = array<i32>} : memref<128x128xf32, #tpu.memory_space<vmem>>, vector<16xf32>,
      tpu.vector_store %arg9[%swap3A_59, %swap3A_60], %broadcast_in_dim3A_0 {strides = array<i32>} : memref<128x128xf32, #tpu.memory_space<vmem>>, vector<16xf32>,
      %swap3A_62 = arith.index_cast %scan3A_44 : i32 to index
      %swap3A_63 = arith.constant 96 : index
      %swap3A_64 = tpu.vector_load %arg9[%swap3A_62, %swap3A_63] {strides = array<i32>} : memref<128x128xf32, #tpu.memory_space<vmem>>, vector<16xf32>,
      tpu.vector_store %arg9[%swap3A_62, %swap3A_63], %broadcast_in_dim3A_0 {strides = array<i32>} : memref<128x128xf32, #tpu.memory_space<vmem>>, vector<16xf32>,
      %swap3A_65 = arith.index_cast %scan3A_44 : i32 to index
      %swap3A_66 = arith.constant 112 : index
      %swap3A_67 = tpu.vector_load %arg9[%swap3A_65, %swap3A_66] {strides = array<i32>} : memref<128x128xf32, #tpu.memory_space<vmem>>, vector<16xf32>,
      tpu.vector_store %arg9[%swap3A_65, %swap3A_66], %broadcast_in_dim3A_0 {strides = array<i32>} : memref<128x128xf32, #tpu.memory_space<vmem>>, vector<16xf32>,
    }
    %scan3A_5 = arith.constant 128 : i32
    %mul3A = arith.constant 624 : i32
    %mul3A_6 = arith.muli %arg1, %mul3A : i32
    %add3A = arith.constant 0 : i32
    %add3A_7 = arith.addi %mul3A_6, %add3A : i32
    "tpu.region"() ({
      %run_scoped3A = tpu.sem_alloc : memref<!tpu.dma_semaphore, #tpu.memory_space<semaphore_mem>>
      %dma_start3A = arith.constant 0 : i32
      %dma_start3A_44 = tpu.memref_slice %arg5[%add3A_7, %dma_start3A] : memref<10000x128xf32, #tpu.memory_space<vmem_shared>> -> memref<128x128xf32, #tpu.memory_space<vmem_shared>>
      %dma_start3A_45 = arith.constant 0 : i32
      %dma_start3A_46 = tpu.memref_slice %arg5[%add3A_7, %dma_start3A_45] : memref<10000x128xf32, #tpu.memory_space<vmem_shared>> -> memref<128x128xf32, #tpu.memory_space<vmem_shared>>
      tpu.enqueue_dma source(%arg9 : memref<128x128xf32, #tpu.memory_space<vmem>>) target(%dma_start3A_46 : memref<128x128xf32, #tpu.memory_space<vmem_shared>>) target_semaphore(%run_scoped3A : memref<!tpu.dma_semaphore, #tpu.memory_space<semaphore_mem>>)
      %dma_wait3A = arith.constant 0 : i32
      %dma_wait3A_47 = tpu.memref_slice %arg5[%add3A_7, %dma_wait3A] : memref<10000x128xf32, #tpu.memory_space<vmem_shared>> -> memref<128x128xf32, #tpu.memory_space<vmem_shared>>
      %dma_wait3A_48 = arith.constant 0 : i32
      %dma_wait3A_49 = tpu.memref_slice %arg5[%add3A_7, %dma_wait3A_48] : memref<10000x128xf32, #tpu.memory_space<vmem_shared>> -> memref<128x128xf32, #tpu.memory_space<vmem_shared>>
      tpu.wait_dma2 semaphore(%run_scoped3A : memref<!tpu.dma_semaphore, #tpu.memory_space<semaphore_mem>>) src(%arg9 : memref<128x128xf32, #tpu.memory_space<vmem>>) dst(%dma_wait3A_49 : memref<128x128xf32, #tpu.memory_space<vmem_shared>>)
      tpu.yield
    }) : () -> ()
    %add3A_8 = arith.constant 128 : i32
    %add3A_9 = arith.addi %mul3A_6, %add3A_8 : i32
    "tpu.region"() ({
      %run_scoped3A = tpu.sem_alloc : memref<!tpu.dma_semaphore, #tpu.memory_space<semaphore_mem>>
      %dma_start3A = arith.constant 0 : i32
      %dma_start3A_44 = tpu.memref_slice %arg5[%add3A_9, %dma_start3A] : memref<10000x128xf32, #tpu.memory_space<vmem_shared>> -> memref<128x128xf32, #tpu.memory_space<vmem_shared>>
      %dma_start3A_45 = arith.constant 0 : i32
      %dma_start3A_46 = tpu.memref_slice %arg5[%add3A_9, %dma_start3A_45] : memref<10000x128xf32, #tpu.memory_space<vmem_shared>> -> memref<128x128xf32, #tpu.memory_space<vmem_shared>>
      tpu.enqueue_dma source(%arg9 : memref<128x128xf32, #tpu.memory_space<vmem>>) target(%dma_start3A_46 : memref<128x128xf32, #tpu.memory_space<vmem_shared>>) target_semaphore(%run_scoped3A : memref<!tpu.dma_semaphore, #tpu.memory_space<semaphore_mem>>)
      %dma_wait3A = arith.constant 0 : i32
      %dma_wait3A_47 = tpu.memref_slice %arg5[%add3A_9, %dma_wait3A] : memref<10000x128xf32, #tpu.memory_space<vmem_shared>> -> memref<128x128xf32, #tpu.memory_space<vmem_shared>>
      %dma_wait3A_48 = arith.constant 0 : i32
      %dma_wait3A_49 = tpu.memref_slice %arg5[%add3A_9, %dma_wait3A_48] : memref<10000x128xf32, #tpu.memory_space<vmem_shared>> -> memref<128x128xf32, #tpu.memory_space<vmem_shared>>
      tpu.wait_dma2 semaphore(%run_scoped3A : memref<!tpu.dma_semaphore, #tpu.memory_space<semaphore_mem>>) src(%arg9 : memref<128x128xf32, #tpu.memory_space<vmem>>) dst(%dma_wait3A_49 : memref<128x128xf32, #tpu.memory_space<vmem_shared>>)
      tpu.yield
    }) : () -> ()
    %add3A_10 = arith.constant 256 : i32
    %add3A_11 = arith.addi %mul3A_6, %add3A_10 : i32
    "tpu.region"() ({
      %run_scoped3A = tpu.sem_alloc : memref<!tpu.dma_semaphore, #tpu.memory_space<semaphore_mem>>
      %dma_start3A = arith.constant 0 : i32
      %dma_start3A_44 = tpu.memref_slice %arg5[%add3A_11, %dma_start3A] : memref<10000x128xf32, #tpu.memory_space<vmem_shared>> -> memref<128x128xf32, #tpu.memory_space<vmem_shared>>
      %dma_start3A_45 = arith.constant 0 : i32
      %dma_start3A_46 = tpu.memref_slice %arg5[%add3A_11, %dma_start3A_45] : memref<10000x128xf32, #tpu.memory_space<vmem_shared>> -> memref<128x128xf32, #tpu.memory_space<vmem_shared>>
      tpu.enqueue_dma source(%arg9 : memref<128x128xf32, #tpu.memory_space<vmem>>) target(%dma_start3A_46 : memref<128x128xf32, #tpu.memory_space<vmem_shared>>) target_semaphore(%run_scoped3A : memref<!tpu.dma_semaphore, #tpu.memory_space<semaphore_mem>>)
      %dma_wait3A = arith.constant 0 : i32
      %dma_wait3A_47 = tpu.memref_slice %arg5[%add3A_11, %dma_wait3A] : memref<10000x128xf32, #tpu.memory_space<vmem_shared>> -> memref<128x128xf32, #tpu.memory_space<vmem_shared>>
      %dma_wait3A_48 = arith.constant 0 : i32
      %dma_wait3A_49 = tpu.memref_slice %arg5[%add3A_11, %dma_wait3A_48] : memref<10000x128xf32, #tpu.memory_space<vmem_shared>> -> memref<128x128xf32, #tpu.memory_space<vmem_shared>>
      tpu.wait_dma2 semaphore(%run_scoped3A : memref<!tpu.dma_semaphore, #tpu.memory_space<semaphore_mem>>) src(%arg9 : memref<128x128xf32, #tpu.memory_space<vmem>>) dst(%dma_wait3A_49 : memref<128x128xf32, #tpu.memory_space<vmem_shared>>)
      tpu.yield
    }) : () -> ()
    %add3A_12 = arith.constant 384 : i32
    %add3A_13 = arith.addi %mul3A_6, %add3A_12 : i32
    "tpu.region"() ({
      %run_scoped3A = tpu.sem_alloc : memref<!tpu.dma_semaphore, #tpu.memory_space<semaphore_mem>>
      %dma_start3A = arith.constant 0 : i32
      %dma_start3A_44 = tpu.memref_slice %arg5[%add3A_13, %dma_start3A] : memref<10000x128xf32, #tpu.memory_space<vmem_shared>> -> memref<128x128xf32, #tpu.memory_space<vmem_shared>>
      %dma_start3A_45 = arith.constant 0 : i32
      %dma_start3A_46 = tpu.memref_slice %arg5[%add3A_13, %dma_start3A_45] : memref<10000x128xf32, #tpu.memory_space<vmem_shared>> -> memref<128x128xf32, #tpu.memory_space<vmem_shared>>
      tpu.enqueue_dma source(%arg9 : memref<128x128xf32, #tpu.memory_space<vmem>>) target(%dma_start3A_46 : memref<128x128xf32, #tpu.memory_space<vmem_shared>>) target_semaphore(%run_scoped3A : memref<!tpu.dma_semaphore, #tpu.memory_space<semaphore_mem>>)
      %dma_wait3A = arith.constant 0 : i32
      %dma_wait3A_47 = tpu.memref_slice %arg5[%add3A_13, %dma_wait3A] : memref<10000x128xf32, #tpu.memory_space<vmem_shared>> -> memref<128x128xf32, #tpu.memory_space<vmem_shared>>
      %dma_wait3A_48 = arith.constant 0 : i32
      %dma_wait3A_49 = tpu.memref_slice %arg5[%add3A_13, %dma_wait3A_48] : memref<10000x128xf32, #tpu.memory_space<vmem_shared>> -> memref<128x128xf32, #tpu.memory_space<vmem_shared>>
      tpu.wait_dma2 semaphore(%run_scoped3A : memref<!tpu.dma_semaphore, #tpu.memory_space<semaphore_mem>>) src(%arg9 : memref<128x128xf32, #tpu.memory_space<vmem>>) dst(%dma_wait3A_49 : memref<128x128xf32, #tpu.memory_space<vmem_shared>>)
      tpu.yield
    }) : () -> ()
    %add3A_14 = arith.constant 512 : i32
    %add3A_15 = arith.addi %mul3A_6, %add3A_14 : i32
    "tpu.region"() ({
      %run_scoped3A = tpu.sem_alloc : memref<!tpu.dma_semaphore, #tpu.memory_space<semaphore_mem>>
      %dma_start3A = arith.constant 0 : i32
      %dma_start3A_44 = arith.constant 0 : i32
      %dma_start3A_45 = tpu.memref_slice %arg9[%dma_start3A, %dma_start3A_44] : memref<128x128xf32, #tpu.memory_space<vmem>> -> memref<112x128xf32, #tpu.memory_space<vmem>>
      %dma_start3A_46 = arith.constant 0 : i32
      %dma_start3A_47 = tpu.memref_slice %arg5[%add3A_15, %dma_start3A_46] : memref<10000x128xf32, #tpu.memory_space<vmem_shared>> -> memref<112x128xf32, #tpu.memory_space<vmem_shared>>
      %dma_start3A_48 = arith.constant 0 : i32
      %dma_start3A_49 = tpu.memref_slice %arg5[%add3A_15, %dma_start3A_48] : memref<10000x128xf32, #tpu.memory_space<vmem_shared>> -> memref<112x128xf32, #tpu.memory_space<vmem_shared>>
      %dma_start3A_50 = arith.constant 0 : i32
      %dma_start3A_51 = arith.constant 0 : i32
      %dma_start3A_52 = tpu.memref_slice %arg9[%dma_start3A_50, %dma_start3A_51] : memref<128x128xf32, #tpu.memory_space<vmem>> -> memref<112x128xf32, #tpu.memory_space<vmem>>
      tpu.enqueue_dma source(%dma_start3A_52 : memref<112x128xf32, #tpu.memory_space<vmem>>) target(%dma_start3A_49 : memref<112x128xf32, #tpu.memory_space<vmem_shared>>) target_semaphore(%run_scoped3A : memref<!tpu.dma_semaphore, #tpu.memory_space<semaphore_mem>>)
      %dma_wait3A = arith.constant 0 : i32
      %dma_wait3A_53 = arith.constant 0 : i32
      %dma_wait3A_54 = tpu.memref_slice %arg9[%dma_wait3A, %dma_wait3A_53] : memref<128x128xf32, #tpu.memory_space<vmem>> -> memref<112x128xf32, #tpu.memory_space<vmem>>
      %dma_wait3A_55 = arith.constant 0 : i32
      %dma_wait3A_56 = tpu.memref_slice %arg5[%add3A_15, %dma_wait3A_55] : memref<10000x128xf32, #tpu.memory_space<vmem_shared>> -> memref<112x128xf32, #tpu.memory_space<vmem_shared>>
      %dma_wait3A_57 = arith.constant 0 : i32
      %dma_wait3A_58 = tpu.memref_slice %arg5[%add3A_15, %dma_wait3A_57] : memref<10000x128xf32, #tpu.memory_space<vmem_shared>> -> memref<112x128xf32, #tpu.memory_space<vmem_shared>>
      %dma_wait3A_59 = arith.constant 0 : i32
      %dma_wait3A_60 = arith.constant 0 : i32
      %dma_wait3A_61 = tpu.memref_slice %arg9[%dma_wait3A_59, %dma_wait3A_60] : memref<128x128xf32, #tpu.memory_space<vmem>> -> memref<112x128xf32, #tpu.memory_space<vmem>>
      tpu.wait_dma2 semaphore(%run_scoped3A : memref<!tpu.dma_semaphore, #tpu.memory_space<semaphore_mem>>) src(%dma_wait3A_61 : memref<112x128xf32, #tpu.memory_space<vmem>>) dst(%dma_wait3A_58 : memref<112x128xf32, #tpu.memory_space<vmem_shared>>)
      tpu.yield
    }) : () -> ()
    %eq3A = arith.constant 0 : i32
    %eq3A_16 = arith.cmpi eq, %arg1, %eq3A : i32
    %convert_element_type3A = arith.extui %eq3A_16 : i1 to i32
    %cond3A = arith.constant 0 : i32
    %cond3A_17 = arith.cmpi ne, %convert_element_type3A, %cond3A : i32
    scf.if %cond3A_17 {
      "tpu.region"() ({
        %run_scoped3A = tpu.sem_alloc : memref<!tpu.dma_semaphore, #tpu.memory_space<semaphore_mem>>
        %dma_start3A = arith.constant 0 : i32
        %dma_start3A_44 = arith.constant 0 : i32
        %dma_start3A_45 = tpu.memref_slice %arg9[%dma_start3A, %dma_start3A_44] : memref<128x128xf32, #tpu.memory_space<vmem>> -> memref<16x128xf32, #tpu.memory_space<vmem>>
        %dma_start3A_46 = arith.constant 9984 : i32
        %dma_start3A_47 = arith.constant 0 : i32
        %dma_start3A_48 = tpu.memref_slice %arg5[%dma_start3A_46, %dma_start3A_47] : memref<10000x128xf32, #tpu.memory_space<vmem_shared>> -> memref<16x128xf32, #tpu.memory_space<vmem_shared>>
        %dma_start3A_49 = arith.constant 9984 : i32
        %dma_start3A_50 = arith.constant 0 : i32
        %dma_start3A_51 = tpu.memref_slice %arg5[%dma_start3A_49, %dma_start3A_50] : memref<10000x128xf32, #tpu.memory_space<vmem_shared>> -> memref<16x128xf32, #tpu.memory_space<vmem_shared>>
        %dma_start3A_52 = arith.constant 0 : i32
        %dma_start3A_53 = arith.constant 0 : i32
        %dma_start3A_54 = tpu.memref_slice %arg9[%dma_start3A_52, %dma_start3A_53] : memref<128x128xf32, #tpu.memory_space<vmem>> -> memref<16x128xf32, #tpu.memory_space<vmem>>
        tpu.enqueue_dma source(%dma_start3A_54 : memref<16x128xf32, #tpu.memory_space<vmem>>) target(%dma_start3A_51 : memref<16x128xf32, #tpu.memory_space<vmem_shared>>) target_semaphore(%run_scoped3A : memref<!tpu.dma_semaphore, #tpu.memory_space<semaphore_mem>>)
        %dma_wait3A = arith.constant 0 : i32
        %dma_wait3A_55 = arith.constant 0 : i32
        %dma_wait3A_56 = tpu.memref_slice %arg9[%dma_wait3A, %dma_wait3A_55] : memref<128x128xf32, #tpu.memory_space<vmem>> -> memref<16x128xf32, #tpu.memory_space<vmem>>
        %dma_wait3A_57 = arith.constant 9984 : i32
        %dma_wait3A_58 = arith.constant 0 : i32
        %dma_wait3A_59 = tpu.memref_slice %arg5[%dma_wait3A_57, %dma_wait3A_58] : memref<10000x128xf32, #tpu.memory_space<vmem_shared>> -> memref<16x128xf32, #tpu.memory_space<vmem_shared>>
        %dma_wait3A_60 = arith.constant 9984 : i32
        %dma_wait3A_61 = arith.constant 0 : i32
        %dma_wait3A_62 = tpu.memref_slice %arg5[%dma_wait3A_60, %dma_wait3A_61] : memref<10000x128xf32, #tpu.memory_space<vmem_shared>> -> memref<16x128xf32, #tpu.memory_space<vmem_shared>>
        %dma_wait3A_63 = arith.constant 0 : i32
        %dma_wait3A_64 = arith.constant 0 : i32
        %dma_wait3A_65 = tpu.memref_slice %arg9[%dma_wait3A_63, %dma_wait3A_64] : memref<128x128xf32, #tpu.memory_space<vmem>> -> memref<16x128xf32, #tpu.memory_space<vmem>>
        tpu.wait_dma2 semaphore(%run_scoped3A : memref<!tpu.dma_semaphore, #tpu.memory_space<semaphore_mem>>) src(%dma_wait3A_65 : memref<16x128xf32, #tpu.memory_space<vmem>>) dst(%dma_wait3A_62 : memref<16x128xf32, #tpu.memory_space<vmem_shared>>)
        tpu.yield
      }) : () -> ()
    } else {
    }
    %broadcast_in_dim3A_18 = arith.constant 1.000000e+00 : f32
    %broadcast_in_dim3A_19 = vector.broadcast %broadcast_in_dim3A_18 : f32 to vector<16xf32>
    %barrier3A = arith.constant 0 : index
    tpu.barrier barrier_id(%barrier3A)
    %mul3A_20 = arith.constant 160000 : i32
    %mul3A_21 = arith.muli %arg0, %mul3A_20 : i32
    %mul3A_22 = arith.constant 9984 : i32
    %mul3A_23 = arith.muli %arg1, %mul3A_22 : i32
    %add3A_24 = arith.addi %mul3A_21, %mul3A_23 : i32
    %scan3A_25 = arith.constant 0 : i32
    %scan3A_26 = arith.constant 0 : i32
    %scan3A_27 = arith.constant 26 : i32
    %scan3A_28 = arith.addi %scan3A_26, %scan3A_27 : i32
    %scan3A_29 = arith.constant 1 : i32
    scf.for %scan3A_44 = %scan3A_26 to %scan3A_28 step %scan3A_29  : i32 {
      %mul3A_45 = arith.constant 3 : i32
      %mul3A_46 = arith.muli %scan3A_44, %mul3A_45 : i32
      %add3A_47 = arith.constant 0 : i32
      %add3A_48 = arith.addi %mul3A_46, %add3A_47 : i32
      %mul3A_49 = arith.constant 128 : i32
      %mul3A_50 = arith.muli %add3A_48, %mul3A_49 : i32
      %add3A_51 = arith.addi %add3A_24, %mul3A_50 : i32
      %dma_start3A = arith.constant 0 : i32
      %dma_start3A_52 = tpu.memref_slice %arg3[%dma_start3A, %add3A_51] : memref<2x320000xi32, #tpu.memory_space<hbm>> -> memref<2x128xi32, #tpu.memory_space<hbm>>
      %dma_start3A_53 = arith.constant 0 : i32
      %dma_start3A_54 = tpu.memref_slice %arg3[%dma_start3A_53, %add3A_51] : memref<2x320000xi32, #tpu.memory_space<hbm>> -> memref<2x128xi32, #tpu.memory_space<hbm>>
      tpu.enqueue_dma source(%dma_start3A_54 : memref<2x128xi32, #tpu.memory_space<hbm>>) target(%arg6 : memref<2x128xi32, #tpu.memory_space<vmem>>) target_semaphore(%arg12 : memref<!tpu.dma_semaphore, #tpu.memory_space<semaphore_mem>>)
      %add3A_55 = arith.constant 1 : i32
      %add3A_56 = arith.addi %mul3A_46, %add3A_55 : i32
      %mul3A_57 = arith.constant 128 : i32
      %mul3A_58 = arith.muli %add3A_56, %mul3A_57 : i32
      %add3A_59 = arith.addi %add3A_24, %mul3A_58 : i32
      %dma_start3A_60 = arith.constant 0 : i32
      %dma_start3A_61 = tpu.memref_slice %arg3[%dma_start3A_60, %add3A_59] : memref<2x320000xi32, #tpu.memory_space<hbm>> -> memref<2x128xi32, #tpu.memory_space<hbm>>
      %dma_start3A_62 = arith.constant 0 : i32
      %dma_start3A_63 = tpu.memref_slice %arg3[%dma_start3A_62, %add3A_59] : memref<2x320000xi32, #tpu.memory_space<hbm>> -> memref<2x128xi32, #tpu.memory_space<hbm>>
      tpu.enqueue_dma source(%dma_start3A_63 : memref<2x128xi32, #tpu.memory_space<hbm>>) target(%arg7 : memref<2x128xi32, #tpu.memory_space<vmem>>) target_semaphore(%arg12 : memref<!tpu.dma_semaphore, #tpu.memory_space<semaphore_mem>>)
      %add3A_64 = arith.constant 2 : i32
      %add3A_65 = arith.addi %mul3A_46, %add3A_64 : i32
      %mul3A_66 = arith.constant 128 : i32
      %mul3A_67 = arith.muli %add3A_65, %mul3A_66 : i32
      %add3A_68 = arith.addi %add3A_24, %mul3A_67 : i32
      %dma_start3A_69 = arith.constant 0 : i32
      %dma_start3A_70 = tpu.memref_slice %arg3[%dma_start3A_69, %add3A_68] : memref<2x320000xi32, #tpu.memory_space<hbm>> -> memref<2x128xi32, #tpu.memory_space<hbm>>
      %dma_start3A_71 = arith.constant 0 : i32
      %dma_start3A_72 = tpu.memref_slice %arg3[%dma_start3A_71, %add3A_68] : memref<2x320000xi32, #tpu.memory_space<hbm>> -> memref<2x128xi32, #tpu.memory_space<hbm>>
      tpu.enqueue_dma source(%dma_start3A_72 : memref<2x128xi32, #tpu.memory_space<hbm>>) target(%arg8 : memref<2x128xi32, #tpu.memory_space<vmem>>) target_semaphore(%arg12 : memref<!tpu.dma_semaphore, #tpu.memory_space<semaphore_mem>>)
      %dma_wait3A = arith.constant 0 : i32
      %dma_wait3A_73 = tpu.memref_slice %arg3[%dma_wait3A, %add3A_51] : memref<2x320000xi32, #tpu.memory_space<hbm>> -> memref<2x128xi32, #tpu.memory_space<hbm>>
      %dma_wait3A_74 = arith.constant 0 : i32
      %dma_wait3A_75 = tpu.memref_slice %arg3[%dma_wait3A_74, %add3A_51] : memref<2x320000xi32, #tpu.memory_space<hbm>> -> memref<2x128xi32, #tpu.memory_space<hbm>>
      tpu.wait_dma2 semaphore(%arg12 : memref<!tpu.dma_semaphore, #tpu.memory_space<semaphore_mem>>) src(%dma_wait3A_75 : memref<2x128xi32, #tpu.memory_space<hbm>>) dst(%arg6 : memref<2x128xi32, #tpu.memory_space<vmem>>)
      %dma_start3A_76 = arith.constant 0 : i32
      %dma_start3A_77 = arith.constant 0 : i32
      %dma_start3A_78 = tpu.memref_slice %arg6[%dma_start3A_76, %dma_start3A_77] : memref<2x128xi32, #tpu.memory_space<vmem>> -> memref<1x128xi32, #tpu.memory_space<vmem>>
      %dma_start3A_79 = tpu.memref_squeeze %dma_start3A_78 : memref<1x128xi32, #tpu.memory_space<vmem>> -> memref<128xi32, #tpu.memory_space<vmem>>
      %dma_start3A_80 = arith.constant 0 : i32
      %dma_start3A_81 = arith.constant 0 : i32
      %dma_start3A_82 = tpu.memref_slice %arg2[%dma_start3A_80, %dma_start3A_81] : memref<10000x128xf32, #tpu.memory_space<hbm>> -> memref<10000x128xf32, #tpu.memory_space<hbm>>
      tpu.enqueue_indirect_dma source(%dma_start3A_82 : memref<10000x128xf32, #tpu.memory_space<hbm>>) target(%arg9 : memref<128x128xf32, #tpu.memory_space<vmem>>) offsets(%dma_start3A_79 : memref<128xi32, #tpu.memory_space<vmem>>) semaphore(%arg13 : memref<!tpu.dma_semaphore, #tpu.memory_space<semaphore_mem>>)
      %dma_wait3A_83 = arith.constant 0 : i32
      %dma_wait3A_84 = tpu.memref_slice %arg3[%dma_wait3A_83, %add3A_59] : memref<2x320000xi32, #tpu.memory_space<hbm>> -> memref<2x128xi32, #tpu.memory_space<hbm>>
      %dma_wait3A_85 = arith.constant 0 : i32
      %dma_wait3A_86 = tpu.memref_slice %arg3[%dma_wait3A_85, %add3A_59] : memref<2x320000xi32, #tpu.memory_space<hbm>> -> memref<2x128xi32, #tpu.memory_space<hbm>>
      tpu.wait_dma2 semaphore(%arg12 : memref<!tpu.dma_semaphore, #tpu.memory_space<semaphore_mem>>) src(%dma_wait3A_86 : memref<2x128xi32, #tpu.memory_space<hbm>>) dst(%arg7 : memref<2x128xi32, #tpu.memory_space<vmem>>)
      %dma_start3A_87 = arith.constant 0 : i32
      %dma_start3A_88 = arith.constant 0 : i32
      %dma_start3A_89 = tpu.memref_slice %arg7[%dma_start3A_87, %dma_start3A_88] : memref<2x128xi32, #tpu.memory_space<vmem>> -> memref<1x128xi32, #tpu.memory_space<vmem>>
      %dma_start3A_90 = tpu.memref_squeeze %dma_start3A_89 : memref<1x128xi32, #tpu.memory_space<vmem>> -> memref<128xi32, #tpu.memory_space<vmem>>
      %dma_start3A_91 = arith.constant 0 : i32
      %dma_start3A_92 = arith.constant 0 : i32
      %dma_start3A_93 = tpu.memref_slice %arg2[%dma_start3A_91, %dma_start3A_92] : memref<10000x128xf32, #tpu.memory_space<hbm>> -> memref<10000x128xf32, #tpu.memory_space<hbm>>
      tpu.enqueue_indirect_dma source(%dma_start3A_93 : memref<10000x128xf32, #tpu.memory_space<hbm>>) target(%arg10 : memref<128x128xf32, #tpu.memory_space<vmem>>) offsets(%dma_start3A_90 : memref<128xi32, #tpu.memory_space<vmem>>) semaphore(%arg13 : memref<!tpu.dma_semaphore, #tpu.memory_space<semaphore_mem>>)
      %dma_wait3A_94 = arith.constant 0 : i32
      %dma_wait3A_95 = tpu.memref_slice %arg3[%dma_wait3A_94, %add3A_68] : memref<2x320000xi32, #tpu.memory_space<hbm>> -> memref<2x128xi32, #tpu.memory_space<hbm>>
      %dma_wait3A_96 = arith.constant 0 : i32
      %dma_wait3A_97 = tpu.memref_slice %arg3[%dma_wait3A_96, %add3A_68] : memref<2x320000xi32, #tpu.memory_space<hbm>> -> memref<2x128xi32, #tpu.memory_space<hbm>>
      tpu.wait_dma2 semaphore(%arg12 : memref<!tpu.dma_semaphore, #tpu.memory_space<semaphore_mem>>) src(%dma_wait3A_97 : memref<2x128xi32, #tpu.memory_space<hbm>>) dst(%arg8 : memref<2x128xi32, #tpu.memory_space<vmem>>)
      %dma_start3A_98 = arith.constant 0 : i32
      %dma_start3A_99 = arith.constant 0 : i32
      %dma_start3A_100 = tpu.memref_slice %arg8[%dma_start3A_98, %dma_start3A_99] : memref<2x128xi32, #tpu.memory_space<vmem>> -> memref<1x128xi32, #tpu.memory_space<vmem>>
      %dma_start3A_101 = tpu.memref_squeeze %dma_start3A_100 : memref<1x128xi32, #tpu.memory_space<vmem>> -> memref<128xi32, #tpu.memory_space<vmem>>
      %dma_start3A_102 = arith.constant 0 : i32
      %dma_start3A_103 = arith.constant 0 : i32
      %dma_start3A_104 = tpu.memref_slice %arg2[%dma_start3A_102, %dma_start3A_103] : memref<10000x128xf32, #tpu.memory_space<hbm>> -> memref<10000x128xf32, #tpu.memory_space<hbm>>
      tpu.enqueue_indirect_dma source(%dma_start3A_104 : memref<10000x128xf32, #tpu.memory_space<hbm>>) target(%arg11 : memref<128x128xf32, #tpu.memory_space<vmem>>) offsets(%dma_start3A_101 : memref<128xi32, #tpu.memory_space<vmem>>) semaphore(%arg13 : memref<!tpu.dma_semaphore, #tpu.memory_space<semaphore_mem>>)
      %dma_wait3A_105 = arith.constant 0 : i32
      %dma_wait3A_106 = arith.constant 0 : i32
      %dma_wait3A_107 = tpu.memref_slice %arg6[%dma_wait3A_105, %dma_wait3A_106] : memref<2x128xi32, #tpu.memory_space<vmem>> -> memref<1x128xi32, #tpu.memory_space<vmem>>
      %dma_wait3A_108 = tpu.memref_squeeze %dma_wait3A_107 : memref<1x128xi32, #tpu.memory_space<vmem>> -> memref<128xi32, #tpu.memory_space<vmem>>
      %dma_wait3A_109 = arith.constant 0 : i32
      %dma_wait3A_110 = arith.constant 0 : i32
      %dma_wait3A_111 = tpu.memref_slice %arg2[%dma_wait3A_109, %dma_wait3A_110] : memref<10000x128xf32, #tpu.memory_space<hbm>> -> memref<10000x128xf32, #tpu.memory_space<hbm>>
      tpu.wait_indirect_dma semaphore(%arg13 : memref<!tpu.dma_semaphore, #tpu.memory_space<semaphore_mem>>) src(%dma_wait3A_111 : memref<10000x128xf32, #tpu.memory_space<hbm>>) dst(%arg9 : memref<128x128xf32, #tpu.memory_space<vmem>>)
      %dma_start3A_112 = arith.constant 1 : i32
      %dma_start3A_113 = arith.constant 0 : i32
      %dma_start3A_114 = tpu.memref_slice %arg6[%dma_start3A_112, %dma_start3A_113] : memref<2x128xi32, #tpu.memory_space<vmem>> -> memref<1x128xi32, #tpu.memory_space<vmem>>
      %dma_start3A_115 = tpu.memref_squeeze %dma_start3A_114 : memref<1x128xi32, #tpu.memory_space<vmem>> -> memref<128xi32, #tpu.memory_space<vmem>>
      %dma_start3A_116 = arith.constant 0 : i32
      %dma_start3A_117 = arith.constant 0 : i32
      %dma_start3A_118 = tpu.memref_slice %arg5[%dma_start3A_116, %dma_start3A_117] : memref<10000x128xf32, #tpu.memory_space<vmem_shared>> -> memref<10000x128xf32, #tpu.memory_space<vmem_shared>>
      tpu.enqueue_indirect_dma source(%arg9 : memref<128x128xf32, #tpu.memory_space<vmem>>) target(%dma_start3A_118 : memref<10000x128xf32, #tpu.memory_space<vmem_shared>>) offsets(%dma_start3A_115 : memref<128xi32, #tpu.memory_space<vmem>>) semaphore(%arg14 : memref<!tpu.dma_semaphore, #tpu.memory_space<semaphore_mem>>) {add = true}
      %dma_wait3A_119 = arith.constant 0 : i32
      %dma_wait3A_120 = arith.constant 0 : i32
      %dma_wait3A_121 = tpu.memref_slice %arg7[%dma_wait3A_119, %dma_wait3A_120] : memref<2x128xi32, #tpu.memory_space<vmem>> -> memref<1x128xi32, #tpu.memory_space<vmem>>
      %dma_wait3A_122 = tpu.memref_squeeze %dma_wait3A_121 : memref<1x128xi32, #tpu.memory_space<vmem>> -> memref<128xi32, #tpu.memory_space<vmem>>
      %dma_wait3A_123 = arith.constant 0 : i32
      %dma_wait3A_124 = arith.constant 0 : i32
      %dma_wait3A_125 = tpu.memref_slice %arg2[%dma_wait3A_123, %dma_wait3A_124] : memref<10000x128xf32, #tpu.memory_space<hbm>> -> memref<10000x128xf32, #tpu.memory_space<hbm>>
      tpu.wait_indirect_dma semaphore(%arg13 : memref<!tpu.dma_semaphore, #tpu.memory_space<semaphore_mem>>) src(%dma_wait3A_125 : memref<10000x128xf32, #tpu.memory_space<hbm>>) dst(%arg10 : memref<128x128xf32, #tpu.memory_space<vmem>>)
      %dma_start3A_126 = arith.constant 1 : i32
      %dma_start3A_127 = arith.constant 0 : i32
      %dma_start3A_128 = tpu.memref_slice %arg7[%dma_start3A_126, %dma_start3A_127] : memref<2x128xi32, #tpu.memory_space<vmem>> -> memref<1x128xi32, #tpu.memory_space<vmem>>
      %dma_start3A_129 = tpu.memref_squeeze %dma_start3A_128 : memref<1x128xi32, #tpu.memory_space<vmem>> -> memref<128xi32, #tpu.memory_space<vmem>>
      %dma_start3A_130 = arith.constant 0 : i32
      %dma_start3A_131 = arith.constant 0 : i32
      %dma_start3A_132 = tpu.memref_slice %arg5[%dma_start3A_130, %dma_start3A_131] : memref<10000x128xf32, #tpu.memory_space<vmem_shared>> -> memref<10000x128xf32, #tpu.memory_space<vmem_shared>>
      tpu.enqueue_indirect_dma source(%arg10 : memref<128x128xf32, #tpu.memory_space<vmem>>) target(%dma_start3A_132 : memref<10000x128xf32, #tpu.memory_space<vmem_shared>>) offsets(%dma_start3A_129 : memref<128xi32, #tpu.memory_space<vmem>>) semaphore(%arg14 : memref<!tpu.dma_semaphore, #tpu.memory_space<semaphore_mem>>) {add = true}
      %dma_wait3A_133 = arith.constant 0 : i32
      %dma_wait3A_134 = arith.constant 0 : i32
      %dma_wait3A_135 = tpu.memref_slice %arg8[%dma_wait3A_133, %dma_wait3A_134] : memref<2x128xi32, #tpu.memory_space<vmem>> -> memref<1x128xi32, #tpu.memory_space<vmem>>
      %dma_wait3A_136 = tpu.memref_squeeze %dma_wait3A_135 : memref<1x128xi32, #tpu.memory_space<vmem>> -> memref<128xi32, #tpu.memory_space<vmem>>
      %dma_wait3A_137 = arith.constant 0 : i32
      %dma_wait3A_138 = arith.constant 0 : i32
      %dma_wait3A_139 = tpu.memref_slice %arg2[%dma_wait3A_137, %dma_wait3A_138] : memref<10000x128xf32, #tpu.memory_space<hbm>> -> memref<10000x128xf32, #tpu.memory_space<hbm>>
      tpu.wait_indirect_dma semaphore(%arg13 : memref<!tpu.dma_semaphore, #tpu.memory_space<semaphore_mem>>) src(%dma_wait3A_139 : memref<10000x128xf32, #tpu.memory_space<hbm>>) dst(%arg11 : memref<128x128xf32, #tpu.memory_space<vmem>>)
      %dma_start3A_140 = arith.constant 1 : i32
      %dma_start3A_141 = arith.constant 0 : i32
      %dma_start3A_142 = tpu.memref_slice %arg8[%dma_start3A_140, %dma_start3A_141] : memref<2x128xi32, #tpu.memory_space<vmem>> -> memref<1x128xi32, #tpu.memory_space<vmem>>
      %dma_start3A_143 = tpu.memref_squeeze %dma_start3A_142 : memref<1x128xi32, #tpu.memory_space<vmem>> -> memref<128xi32, #tpu.memory_space<vmem>>
      %dma_start3A_144 = arith.constant 0 : i32
      %dma_start3A_145 = arith.constant 0 : i32
      %dma_start3A_146 = tpu.memref_slice %arg5[%dma_start3A_144, %dma_start3A_145] : memref<10000x128xf32, #tpu.memory_space<vmem_shared>> -> memref<10000x128xf32, #tpu.memory_space<vmem_shared>>
      tpu.enqueue_indirect_dma source(%arg11 : memref<128x128xf32, #tpu.memory_space<vmem>>) target(%dma_start3A_146 : memref<10000x128xf32, #tpu.memory_space<vmem_shared>>) offsets(%dma_start3A_143 : memref<128xi32, #tpu.memory_space<vmem>>) semaphore(%arg14 : memref<!tpu.dma_semaphore, #tpu.memory_space<semaphore_mem>>) {add = true}
      %dma_wait3A_147 = arith.constant 1 : i32
      %dma_wait3A_148 = arith.constant 0 : i32
      %dma_wait3A_149 = tpu.memref_slice %arg6[%dma_wait3A_147, %dma_wait3A_148] : memref<2x128xi32, #tpu.memory_space<vmem>> -> memref<1x128xi32, #tpu.memory_space<vmem>>
      %dma_wait3A_150 = tpu.memref_squeeze %dma_wait3A_149 : memref<1x128xi32, #tpu.memory_space<vmem>> -> memref<128xi32, #tpu.memory_space<vmem>>
      %dma_wait3A_151 = arith.constant 0 : i32
      %dma_wait3A_152 = arith.constant 0 : i32
      %dma_wait3A_153 = tpu.memref_slice %arg5[%dma_wait3A_151, %dma_wait3A_152] : memref<10000x128xf32, #tpu.memory_space<vmem_shared>> -> memref<10000x128xf32, #tpu.memory_space<vmem_shared>>
      tpu.wait_indirect_dma semaphore(%arg14 : memref<!tpu.dma_semaphore, #tpu.memory_space<semaphore_mem>>) src(%arg9 : memref<128x128xf32, #tpu.memory_space<vmem>>) dst(%dma_wait3A_153 : memref<10000x128xf32, #tpu.memory_space<vmem_shared>>)
      %dma_wait3A_154 = arith.constant 1 : i32
      %dma_wait3A_155 = arith.constant 0 : i32
      %dma_wait3A_156 = tpu.memref_slice %arg7[%dma_wait3A_154, %dma_wait3A_155] : memref<2x128xi32, #tpu.memory_space<vmem>> -> memref<1x128xi32, #tpu.memory_space<vmem>>
      %dma_wait3A_157 = tpu.memref_squeeze %dma_wait3A_156 : memref<1x128xi32, #tpu.memory_space<vmem>> -> memref<128xi32, #tpu.memory_space<vmem>>
      %dma_wait3A_158 = arith.constant 0 : i32
      %dma_wait3A_159 = arith.constant 0 : i32
      %dma_wait3A_160 = tpu.memref_slice %arg5[%dma_wait3A_158, %dma_wait3A_159] : memref<10000x128xf32, #tpu.memory_space<vmem_shared>> -> memref<10000x128xf32, #tpu.memory_space<vmem_shared>>
      tpu.wait_indirect_dma semaphore(%arg14 : memref<!tpu.dma_semaphore, #tpu.memory_space<semaphore_mem>>) src(%arg10 : memref<128x128xf32, #tpu.memory_space<vmem>>) dst(%dma_wait3A_160 : memref<10000x128xf32, #tpu.memory_space<vmem_shared>>)
      %dma_wait3A_161 = arith.constant 1 : i32
      %dma_wait3A_162 = arith.constant 0 : i32
      %dma_wait3A_163 = tpu.memref_slice %arg8[%dma_wait3A_161, %dma_wait3A_162] : memref<2x128xi32, #tpu.memory_space<vmem>> -> memref<1x128xi32, #tpu.memory_space<vmem>>
      %dma_wait3A_164 = tpu.memref_squeeze %dma_wait3A_163 : memref<1x128xi32, #tpu.memory_space<vmem>> -> memref<128xi32, #tpu.memory_space<vmem>>
      %dma_wait3A_165 = arith.constant 0 : i32
      %dma_wait3A_166 = arith.constant 0 : i32
      %dma_wait3A_167 = tpu.memref_slice %arg5[%dma_wait3A_165, %dma_wait3A_166] : memref<10000x128xf32, #tpu.memory_space<vmem_shared>> -> memref<10000x128xf32, #tpu.memory_space<vmem_shared>>
      tpu.wait_indirect_dma semaphore(%arg14 : memref<!tpu.dma_semaphore, #tpu.memory_space<semaphore_mem>>) src(%arg11 : memref<128x128xf32, #tpu.memory_space<vmem>>) dst(%dma_wait3A_167 : memref<10000x128xf32, #tpu.memory_space<vmem_shared>>)
    }
    %scan3A_30 = arith.constant 26 : i32
    %eq3A_31 = arith.constant 15 : i32
    %eq3A_32 = arith.cmpi eq, %arg1, %eq3A_31 : i32
    %convert_element_type3A_33 = arith.extui %eq3A_32 : i1 to i32
    %cond3A_34 = arith.constant 0 : i32
    %cond3A_35 = arith.cmpi ne, %convert_element_type3A_33, %cond3A_34 : i32
    scf.if %cond3A_35 {
      %add3A_44 = arith.constant 9984 : i32
      %add3A_45 = arith.addi %add3A_24, %add3A_44 : i32
      %dma_start3A = arith.constant 0 : i32
      %dma_start3A_46 = tpu.memref_slice %arg3[%dma_start3A, %add3A_45] : memref<2x320000xi32, #tpu.memory_space<hbm>> -> memref<2x128xi32, #tpu.memory_space<hbm>>
      %dma_start3A_47 = arith.constant 0 : i32
      %dma_start3A_48 = tpu.memref_slice %arg3[%dma_start3A_47, %add3A_45] : memref<2x320000xi32, #tpu.memory_space<hbm>> -> memref<2x128xi32, #tpu.memory_space<hbm>>
      tpu.enqueue_dma source(%dma_start3A_48 : memref<2x128xi32, #tpu.memory_space<hbm>>) target(%arg6 : memref<2x128xi32, #tpu.memory_space<vmem>>) target_semaphore(%arg12 : memref<!tpu.dma_semaphore, #tpu.memory_space<semaphore_mem>>)
      %add3A_49 = arith.constant 10112 : i32
      %add3A_50 = arith.addi %add3A_24, %add3A_49 : i32
      %dma_start3A_51 = arith.constant 0 : i32
      %dma_start3A_52 = tpu.memref_slice %arg3[%dma_start3A_51, %add3A_50] : memref<2x320000xi32, #tpu.memory_space<hbm>> -> memref<2x128xi32, #tpu.memory_space<hbm>>
      %dma_start3A_53 = arith.constant 0 : i32
      %dma_start3A_54 = tpu.memref_slice %arg3[%dma_start3A_53, %add3A_50] : memref<2x320000xi32, #tpu.memory_space<hbm>> -> memref<2x128xi32, #tpu.memory_space<hbm>>
      tpu.enqueue_dma source(%dma_start3A_54 : memref<2x128xi32, #tpu.memory_space<hbm>>) target(%arg7 : memref<2x128xi32, #tpu.memory_space<vmem>>) target_semaphore(%arg12 : memref<!tpu.dma_semaphore, #tpu.memory_space<semaphore_mem>>)
      %dma_wait3A = arith.constant 0 : i32
      %dma_wait3A_55 = tpu.memref_slice %arg3[%dma_wait3A, %add3A_45] : memref<2x320000xi32, #tpu.memory_space<hbm>> -> memref<2x128xi32, #tpu.memory_space<hbm>>
      %dma_wait3A_56 = arith.constant 0 : i32
      %dma_wait3A_57 = tpu.memref_slice %arg3[%dma_wait3A_56, %add3A_45] : memref<2x320000xi32, #tpu.memory_space<hbm>> -> memref<2x128xi32, #tpu.memory_space<hbm>>
      tpu.wait_dma2 semaphore(%arg12 : memref<!tpu.dma_semaphore, #tpu.memory_space<semaphore_mem>>) src(%dma_wait3A_57 : memref<2x128xi32, #tpu.memory_space<hbm>>) dst(%arg6 : memref<2x128xi32, #tpu.memory_space<vmem>>)
      %dma_start3A_58 = arith.constant 0 : i32
      %dma_start3A_59 = arith.constant 0 : i32
      %dma_start3A_60 = tpu.memref_slice %arg6[%dma_start3A_58, %dma_start3A_59] : memref<2x128xi32, #tpu.memory_space<vmem>> -> memref<1x128xi32, #tpu.memory_space<vmem>>
      %dma_start3A_61 = tpu.memref_squeeze %dma_start3A_60 : memref<1x128xi32, #tpu.memory_space<vmem>> -> memref<128xi32, #tpu.memory_space<vmem>>
      %dma_start3A_62 = arith.constant 0 : i32
      %dma_start3A_63 = arith.constant 0 : i32
      %dma_start3A_64 = tpu.memref_slice %arg2[%dma_start3A_62, %dma_start3A_63] : memref<10000x128xf32, #tpu.memory_space<hbm>> -> memref<10000x128xf32, #tpu.memory_space<hbm>>
      tpu.enqueue_indirect_dma source(%dma_start3A_64 : memref<10000x128xf32, #tpu.memory_space<hbm>>) target(%arg9 : memref<128x128xf32, #tpu.memory_space<vmem>>) offsets(%dma_start3A_61 : memref<128xi32, #tpu.memory_space<vmem>>) semaphore(%arg13 : memref<!tpu.dma_semaphore, #tpu.memory_space<semaphore_mem>>)
      %dma_wait3A_65 = arith.constant 0 : i32
      %dma_wait3A_66 = tpu.memref_slice %arg3[%dma_wait3A_65, %add3A_50] : memref<2x320000xi32, #tpu.memory_space<hbm>> -> memref<2x128xi32, #tpu.memory_space<hbm>>
      %dma_wait3A_67 = arith.constant 0 : i32
      %dma_wait3A_68 = tpu.memref_slice %arg3[%dma_wait3A_67, %add3A_50] : memref<2x320000xi32, #tpu.memory_space<hbm>> -> memref<2x128xi32, #tpu.memory_space<hbm>>
      tpu.wait_dma2 semaphore(%arg12 : memref<!tpu.dma_semaphore, #tpu.memory_space<semaphore_mem>>) src(%dma_wait3A_68 : memref<2x128xi32, #tpu.memory_space<hbm>>) dst(%arg7 : memref<2x128xi32, #tpu.memory_space<vmem>>)
      %dma_start3A_69 = arith.constant 0 : i32
      %dma_start3A_70 = arith.constant 0 : i32
      %dma_start3A_71 = tpu.memref_slice %arg7[%dma_start3A_69, %dma_start3A_70] : memref<2x128xi32, #tpu.memory_space<vmem>> -> memref<1x128xi32, #tpu.memory_space<vmem>>
      %dma_start3A_72 = tpu.memref_squeeze %dma_start3A_71 : memref<1x128xi32, #tpu.memory_space<vmem>> -> memref<128xi32, #tpu.memory_space<vmem>>
      %dma_start3A_73 = arith.constant 0 : i32
      %dma_start3A_74 = arith.constant 0 : i32
      %dma_start3A_75 = tpu.memref_slice %arg2[%dma_start3A_73, %dma_start3A_74] : memref<10000x128xf32, #tpu.memory_space<hbm>> -> memref<10000x128xf32, #tpu.memory_space<hbm>>
      tpu.enqueue_indirect_dma source(%dma_start3A_75 : memref<10000x128xf32, #tpu.memory_space<hbm>>) target(%arg10 : memref<128x128xf32, #tpu.memory_space<vmem>>) offsets(%dma_start3A_72 : memref<128xi32, #tpu.memory_space<vmem>>) semaphore(%arg13 : memref<!tpu.dma_semaphore, #tpu.memory_space<semaphore_mem>>)
      %dma_wait3A_76 = arith.constant 0 : i32
      %dma_wait3A_77 = arith.constant 0 : i32
      %dma_wait3A_78 = tpu.memref_slice %arg6[%dma_wait3A_76, %dma_wait3A_77] : memref<2x128xi32, #tpu.memory_space<vmem>> -> memref<1x128xi32, #tpu.memory_space<vmem>>
      %dma_wait3A_79 = tpu.memref_squeeze %dma_wait3A_78 : memref<1x128xi32, #tpu.memory_space<vmem>> -> memref<128xi32, #tpu.memory_space<vmem>>
      %dma_wait3A_80 = arith.constant 0 : i32
      %dma_wait3A_81 = arith.constant 0 : i32
      %dma_wait3A_82 = tpu.memref_slice %arg2[%dma_wait3A_80, %dma_wait3A_81] : memref<10000x128xf32, #tpu.memory_space<hbm>> -> memref<10000x128xf32, #tpu.memory_space<hbm>>
      tpu.wait_indirect_dma semaphore(%arg13 : memref<!tpu.dma_semaphore, #tpu.memory_space<semaphore_mem>>) src(%dma_wait3A_82 : memref<10000x128xf32, #tpu.memory_space<hbm>>) dst(%arg9 : memref<128x128xf32, #tpu.memory_space<vmem>>)
      %dma_start3A_83 = arith.constant 1 : i32
      %dma_start3A_84 = arith.constant 0 : i32
      %dma_start3A_85 = tpu.memref_slice %arg6[%dma_start3A_83, %dma_start3A_84] : memref<2x128xi32, #tpu.memory_space<vmem>> -> memref<1x128xi32, #tpu.memory_space<vmem>>
      %dma_start3A_86 = tpu.memref_squeeze %dma_start3A_85 : memref<1x128xi32, #tpu.memory_space<vmem>> -> memref<128xi32, #tpu.memory_space<vmem>>
      %dma_start3A_87 = arith.constant 0 : i32
      %dma_start3A_88 = arith.constant 0 : i32
      %dma_start3A_89 = tpu.memref_slice %arg5[%dma_start3A_87, %dma_start3A_88] : memref<10000x128xf32, #tpu.memory_space<vmem_shared>> -> memref<10000x128xf32, #tpu.memory_space<vmem_shared>>
      tpu.enqueue_indirect_dma source(%arg9 : memref<128x128xf32, #tpu.memory_space<vmem>>) target(%dma_start3A_89 : memref<10000x128xf32, #tpu.memory_space<vmem_shared>>) offsets(%dma_start3A_86 : memref<128xi32, #tpu.memory_space<vmem>>) semaphore(%arg14 : memref<!tpu.dma_semaphore, #tpu.memory_space<semaphore_mem>>) {add = true}
      %dma_wait3A_90 = arith.constant 0 : i32
      %dma_wait3A_91 = arith.constant 0 : i32
      %dma_wait3A_92 = tpu.memref_slice %arg7[%dma_wait3A_90, %dma_wait3A_91] : memref<2x128xi32, #tpu.memory_space<vmem>> -> memref<1x128xi32, #tpu.memory_space<vmem>>
      %dma_wait3A_93 = tpu.memref_squeeze %dma_wait3A_92 : memref<1x128xi32, #tpu.memory_space<vmem>> -> memref<128xi32, #tpu.memory_space<vmem>>
      %dma_wait3A_94 = arith.constant 0 : i32
      %dma_wait3A_95 = arith.constant 0 : i32
      %dma_wait3A_96 = tpu.memref_slice %arg2[%dma_wait3A_94, %dma_wait3A_95] : memref<10000x128xf32, #tpu.memory_space<hbm>> -> memref<10000x128xf32, #tpu.memory_space<hbm>>
      tpu.wait_indirect_dma semaphore(%arg13 : memref<!tpu.dma_semaphore, #tpu.memory_space<semaphore_mem>>) src(%dma_wait3A_96 : memref<10000x128xf32, #tpu.memory_space<hbm>>) dst(%arg10 : memref<128x128xf32, #tpu.memory_space<vmem>>)
      %dma_start3A_97 = arith.constant 1 : i32
      %dma_start3A_98 = arith.constant 0 : i32
      %dma_start3A_99 = tpu.memref_slice %arg7[%dma_start3A_97, %dma_start3A_98] : memref<2x128xi32, #tpu.memory_space<vmem>> -> memref<1x128xi32, #tpu.memory_space<vmem>>
      %dma_start3A_100 = tpu.memref_squeeze %dma_start3A_99 : memref<1x128xi32, #tpu.memory_space<vmem>> -> memref<128xi32, #tpu.memory_space<vmem>>
      %dma_start3A_101 = arith.constant 0 : i32
      %dma_start3A_102 = arith.constant 0 : i32
      %dma_start3A_103 = tpu.memref_slice %arg5[%dma_start3A_101, %dma_start3A_102] : memref<10000x128xf32, #tpu.memory_space<vmem_shared>> -> memref<10000x128xf32, #tpu.memory_space<vmem_shared>>
      tpu.enqueue_indirect_dma source(%arg10 : memref<128x128xf32, #tpu.memory_space<vmem>>) target(%dma_start3A_103 : memref<10000x128xf32, #tpu.memory_space<vmem_shared>>) offsets(%dma_start3A_100 : memref<128xi32, #tpu.memory_space<vmem>>) semaphore(%arg14 : memref<!tpu.dma_semaphore, #tpu.memory_space<semaphore_mem>>) {add = true}
      %dma_wait3A_104 = arith.constant 1 : i32
      %dma_wait3A_105 = arith.constant 0 : i32
      %dma_wait3A_106 = tpu.memref_slice %arg6[%dma_wait3A_104, %dma_wait3A_105] : memref<2x128xi32, #tpu.memory_space<vmem>> -> memref<1x128xi32, #tpu.memory_space<vmem>>
      %dma_wait3A_107 = tpu.memref_squeeze %dma_wait3A_106 : memref<1x128xi32, #tpu.memory_space<vmem>> -> memref<128xi32, #tpu.memory_space<vmem>>
      %dma_wait3A_108 = arith.constant 0 : i32
      %dma_wait3A_109 = arith.constant 0 : i32
      %dma_wait3A_110 = tpu.memref_slice %arg5[%dma_wait3A_108, %dma_wait3A_109] : memref<10000x128xf32, #tpu.memory_space<vmem_shared>> -> memref<10000x128xf32, #tpu.memory_space<vmem_shared>>
      tpu.wait_indirect_dma semaphore(%arg14 : memref<!tpu.dma_semaphore, #tpu.memory_space<semaphore_mem>>) src(%arg9 : memref<128x128xf32, #tpu.memory_space<vmem>>) dst(%dma_wait3A_110 : memref<10000x128xf32, #tpu.memory_space<vmem_shared>>)
      %dma_wait3A_111 = arith.constant 1 : i32
      %dma_wait3A_112 = arith.constant 0 : i32
      %dma_wait3A_113 = tpu.memref_slice %arg7[%dma_wait3A_111, %dma_wait3A_112] : memref<2x128xi32, #tpu.memory_space<vmem>> -> memref<1x128xi32, #tpu.memory_space<vmem>>
      %dma_wait3A_114 = tpu.memref_squeeze %dma_wait3A_113 : memref<1x128xi32, #tpu.memory_space<vmem>> -> memref<128xi32, #tpu.memory_space<vmem>>
      %dma_wait3A_115 = arith.constant 0 : i32
      %dma_wait3A_116 = arith.constant 0 : i32
      %dma_wait3A_117 = tpu.memref_slice %arg5[%dma_wait3A_115, %dma_wait3A_116] : memref<10000x128xf32, #tpu.memory_space<vmem_shared>> -> memref<10000x128xf32, #tpu.memory_space<vmem_shared>>
      tpu.wait_indirect_dma semaphore(%arg14 : memref<!tpu.dma_semaphore, #tpu.memory_space<semaphore_mem>>) src(%arg10 : memref<128x128xf32, #tpu.memory_space<vmem>>) dst(%dma_wait3A_117 : memref<10000x128xf32, #tpu.memory_space<vmem_shared>>)
    } else {
    }
    %barrier3A_36 = arith.constant 0 : index
    tpu.barrier barrier_id(%barrier3A_36)
    %mul3A_37 = arith.constant 624 : i32
    %mul3A_38 = arith.muli %arg1, %mul3A_37 : i32
    "tpu.region"() ({
      %run_scoped3A = tpu.sem_alloc : memref<!tpu.dma_semaphore, #tpu.memory_space<semaphore_mem>>
      %dma_start3A = arith.constant 0 : i32
      %dma_start3A_44 = tpu.memref_slice %arg4[%arg0, %mul3A_38, %dma_start3A] : memref<2x10000x128xf32, #tpu.memory_space<hbm>> -> memref<1x624x128xf32, #tpu.memory_space<hbm>>
      %dma_start3A_45 = tpu.memref_squeeze %dma_start3A_44 : memref<1x624x128xf32, #tpu.memory_space<hbm>> -> memref<624x128xf32, #tpu.memory_space<hbm>>
      %dma_start3A_46 = arith.constant 0 : i32
      %dma_start3A_47 = tpu.memref_slice %arg5[%mul3A_38, %dma_start3A_46] : memref<10000x128xf32, #tpu.memory_space<vmem_shared>> -> memref<624x128xf32, #tpu.memory_space<vmem_shared>>
      tpu.enqueue_dma source(%dma_start3A_47 : memref<624x128xf32, #tpu.memory_space<vmem_shared>>) target(%dma_start3A_45 : memref<624x128xf32, #tpu.memory_space<hbm>>) target_semaphore(%run_scoped3A : memref<!tpu.dma_semaphore, #tpu.memory_space<semaphore_mem>>)
      %dma_wait3A = arith.constant 0 : i32
      %dma_wait3A_48 = tpu.memref_slice %arg4[%arg0, %mul3A_38, %dma_wait3A] : memref<2x10000x128xf32, #tpu.memory_space<hbm>> -> memref<1x624x128xf32, #tpu.memory_space<hbm>>
      %dma_wait3A_49 = tpu.memref_squeeze %dma_wait3A_48 : memref<1x624x128xf32, #tpu.memory_space<hbm>> -> memref<624x128xf32, #tpu.memory_space<hbm>>
      %dma_wait3A_50 = arith.constant 0 : i32
      %dma_wait3A_51 = tpu.memref_slice %arg5[%mul3A_38, %dma_wait3A_50] : memref<10000x128xf32, #tpu.memory_space<vmem_shared>> -> memref<624x128xf32, #tpu.memory_space<vmem_shared>>
      tpu.wait_dma2 semaphore(%run_scoped3A : memref<!tpu.dma_semaphore, #tpu.memory_space<semaphore_mem>>) src(%dma_wait3A_51 : memref<624x128xf32, #tpu.memory_space<vmem_shared>>) dst(%dma_wait3A_49 : memref<624x128xf32, #tpu.memory_space<hbm>>)
      tpu.yield
    }) : () -> ()
    %eq3A_39 = arith.constant 0 : i32
    %eq3A_40 = arith.cmpi eq, %arg1, %eq3A_39 : i32
    %convert_element_type3A_41 = arith.extui %eq3A_40 : i1 to i32
    %cond3A_42 = arith.constant 0 : i32
    %cond3A_43 = arith.cmpi ne, %convert_element_type3A_41, %cond3A_42 : i32
    scf.if %cond3A_43 {
      "tpu.region"() ({
        %run_scoped3A = tpu.sem_alloc : memref<!tpu.dma_semaphore, #tpu.memory_space<semaphore_mem>>
        %dma_start3A = arith.constant 9984 : i32
        %dma_start3A_44 = arith.constant 0 : i32
        %dma_start3A_45 = tpu.memref_slice %arg4[%arg0, %dma_start3A, %dma_start3A_44] : memref<2x10000x128xf32, #tpu.memory_space<hbm>> -> memref<1x16x128xf32, #tpu.memory_space<hbm>>
        %dma_start3A_46 = tpu.memref_squeeze %dma_start3A_45 : memref<1x16x128xf32, #tpu.memory_space<hbm>> -> memref<16x128xf32, #tpu.memory_space<hbm>>
        %dma_start3A_47 = arith.constant 9984 : i32
        %dma_start3A_48 = arith.constant 0 : i32
        %dma_start3A_49 = tpu.memref_slice %arg5[%dma_start3A_47, %dma_start3A_48] : memref<10000x128xf32, #tpu.memory_space<vmem_shared>> -> memref<16x128xf32, #tpu.memory_space<vmem_shared>>
        tpu.enqueue_dma source(%dma_start3A_49 : memref<16x128xf32, #tpu.memory_space<vmem_shared>>) target(%dma_start3A_46 : memref<16x128xf32, #tpu.memory_space<hbm>>) target_semaphore(%run_scoped3A : memref<!tpu.dma_semaphore, #tpu.memory_space<semaphore_mem>>)
        %dma_wait3A = arith.constant 9984 : i32
        %dma_wait3A_50 = arith.constant 0 : i32
        %dma_wait3A_51 = tpu.memref_slice %arg4[%arg0, %dma_wait3A, %dma_wait3A_50] : memref<2x10000x128xf32, #tpu.memory_space<hbm>> -> memref<1x16x128xf32, #tpu.memory_space<hbm>>
        %dma_wait3A_52 = tpu.memref_squeeze %dma_wait3A_51 : memref<1x16x128xf32, #tpu.memory_space<hbm>> -> memref<16x128xf32, #tpu.memory_space<hbm>>
        %dma_wait3A_53 = arith.constant 9984 : i32
        %dma_wait3A_54 = arith.constant 0 : i32
        %dma_wait3A_55 = tpu.memref_slice %arg5[%dma_wait3A_53, %dma_wait3A_54] : memref<10000x128xf32, #tpu.memory_space<vmem_shared>> -> memref<16x128xf32, #tpu.memory_space<vmem_shared>>
        tpu.wait_dma2 semaphore(%run_scoped3A : memref<!tpu.dma_semaphore, #tpu.memory_space<semaphore_mem>>) src(%dma_wait3A_55 : memref<16x128xf32, #tpu.memory_space<vmem_shared>>) dst(%dma_wait3A_52 : memref<16x128xf32, #tpu.memory_space<hbm>>)
        tpu.yield
      }) : () -> ()
    } else {
    }
    return
  }
}

module attributes {stable_mosaic.version = 14 : i64} {
  func.func @_tc_final_body(%arg0: memref<2x10000x128xf32, #tpu.memory_space<vmem>>, %arg1: memref<32x1x10000xf32, #tpu.memory_space<vmem>>, %arg2: memref<10000x128xf32, #tpu.memory_space<vmem>>, %arg3: memref<128x128xf32, #tpu.memory_space<vmem>>, %arg4: memref<1x128xf32, #tpu.memory_space<vmem>>, %arg5: memref<128x128xf32, #tpu.memory_space<vmem>>, %arg6: memref<128x64xf32, #tpu.memory_space<vmem>>, %arg7: memref<1x64xf32, #tpu.memory_space<vmem>>, %arg8: memref<10000x64xf32, #tpu.memory_space<vmem>>) attributes {dimension_semantics = [], scalar_prefetch = 0 : i64, scratch_operands = 0 : i64, tpu.core_type = #tpu.core_type<tc>} {
    %get3A = arith.constant 0 : index
    %get3A_0 = arith.constant 0 : index
    %get3A_1 = arith.constant 0 : index
    %get3A_2 = vector.load %arg1[%get3A, %get3A_0, %get3A_1] : memref<32x1x10000xf32, #tpu.memory_space<vmem>>, vector<32x1x10000xf32>
    %get3A_3 = vector.shape_cast %get3A_2 : vector<32x1x10000xf32> to vector<32x10000xf32>
    %transpose3A = tpu.transpose %get3A_3, [1, 0] : vector<32x10000xf32> -> vector<10000x32xf32>
    %reduce_sum3A = arith.constant dense<0.000000e+00> : vector<10000xf32>
    %reduce_sum3A_4 = vector.multi_reduction <add>, %transpose3A, %reduce_sum3A [1] : vector<10000x32xf32> to vector<10000xf32>
    %broadcast_in_dim3A = vector.shape_cast %reduce_sum3A_4 : vector<10000xf32> to vector<10000x1xf32>
    %max3A = arith.constant 1.000000e+00 : f32
    %max3A_5 = vector.broadcast %max3A : f32 to vector<10000x1xf32>
    %max3A_6 = arith.maximumf %broadcast_in_dim3A, %max3A_5 : vector<10000x1xf32>
    %div3A = arith.constant 1.000000e+00 : f32
    %div3A_7 = vector.broadcast %div3A : f32 to vector<10000x1xf32>
    %div3A_8 = arith.divf %div3A_7, %max3A_6 : vector<10000x1xf32>
    %get3A_9 = arith.constant 0 : index
    %get3A_10 = arith.constant 0 : index
    %get3A_11 = arith.constant 0 : index
    %get3A_12 = vector.load %arg0[%get3A_9, %get3A_10, %get3A_11] : memref<2x10000x128xf32, #tpu.memory_space<vmem>>, vector<1x10000x128xf32>
    %get3A_13 = vector.shape_cast %get3A_12 : vector<1x10000x128xf32> to vector<10000x128xf32>
    %get3A_14 = arith.constant 1 : index
    %get3A_15 = arith.constant 0 : index
    %get3A_16 = arith.constant 0 : index
    %get3A_17 = vector.load %arg0[%get3A_14, %get3A_15, %get3A_16] : memref<2x10000x128xf32, #tpu.memory_space<vmem>>, vector<1x10000x128xf32>
    %get3A_18 = vector.shape_cast %get3A_17 : vector<1x10000x128xf32> to vector<10000x128xf32>
    %add3A = arith.addf %get3A_13, %get3A_18 : vector<10000x128xf32>
    %mul3A = vector.broadcast %div3A_8 : vector<10000x1xf32> to vector<10000x128xf32>
    %mul3A_19 = arith.mulf %add3A, %mul3A : vector<10000x128xf32>
    %get3A_20 = arith.constant 0 : index
    %get3A_21 = arith.constant 0 : index
    %get3A_22 = vector.load %arg3[%get3A_20, %get3A_21] : memref<128x128xf32, #tpu.memory_space<vmem>>, vector<128x128xf32>
    %dot_general3A = arith.constant dense<0.000000e+00> : vector<10000x128xf32>
    %dot_general3A_23 = tpu.matmul %mul3A_19, %get3A_22, %dot_general3A {dimension_numbers = #tpu.dot_dimension_numbers<[1], [0], [0], [1], [0, 0, 1, 1], [], []>, transpose_lhs_hint = false} : vector<10000x128xf32>, vector<128x128xf32>, vector<10000x128xf32> -> vector<10000x128xf32>
    %get3A_24 = arith.constant 0 : index
    %get3A_25 = arith.constant 0 : index
    %get3A_26 = vector.load %arg4[%get3A_24, %get3A_25] : memref<1x128xf32, #tpu.memory_space<vmem>>, vector<1x128xf32>
    %add3A_27 = vector.broadcast %get3A_26 : vector<1x128xf32> to vector<10000x128xf32>
    %add3A_28 = arith.addf %dot_general3A_23, %add3A_27 : vector<10000x128xf32>
    %get3A_29 = arith.constant 0 : index
    %get3A_30 = arith.constant 0 : index
    %get3A_31 = vector.load %arg2[%get3A_29, %get3A_30] : memref<10000x128xf32, #tpu.memory_space<vmem>>, vector<10000x128xf32>
    %get3A_32 = arith.constant 0 : index
    %get3A_33 = arith.constant 0 : index
    %get3A_34 = vector.load %arg5[%get3A_32, %get3A_33] : memref<128x128xf32, #tpu.memory_space<vmem>>, vector<128x128xf32>
    %dot_general3A_35 = arith.constant dense<0.000000e+00> : vector<10000x128xf32>
    %dot_general3A_36 = tpu.matmul %get3A_31, %get3A_34, %dot_general3A_35 {dimension_numbers = #tpu.dot_dimension_numbers<[1], [0], [0], [1], [0, 0, 1, 1], [], []>, transpose_lhs_hint = false} : vector<10000x128xf32>, vector<128x128xf32>, vector<10000x128xf32> -> vector<10000x128xf32>
    %add3A_37 = arith.addf %add3A_28, %dot_general3A_36 : vector<10000x128xf32>
    %max3A_38 = arith.constant 0.000000e+00 : f32
    %max3A_39 = vector.broadcast %max3A_38 : f32 to vector<10000x128xf32>
    %max3A_40 = arith.maximumf %add3A_37, %max3A_39 : vector<10000x128xf32>
    %get3A_41 = arith.constant 0 : index
    %get3A_42 = arith.constant 0 : index
    %get3A_43 = vector.load %arg6[%get3A_41, %get3A_42] : memref<128x64xf32, #tpu.memory_space<vmem>>, vector<128x64xf32>
    %dot_general3A_44 = arith.constant dense<0.000000e+00> : vector<10000x64xf32>
    %dot_general3A_45 = tpu.matmul %max3A_40, %get3A_43, %dot_general3A_44 {dimension_numbers = #tpu.dot_dimension_numbers<[1], [0], [0], [1], [0, 0, 1, 1], [], []>, transpose_lhs_hint = false} : vector<10000x128xf32>, vector<128x64xf32>, vector<10000x64xf32> -> vector<10000x64xf32>
    %get3A_46 = arith.constant 0 : index
    %get3A_47 = arith.constant 0 : index
    %get3A_48 = vector.load %arg7[%get3A_46, %get3A_47] : memref<1x64xf32, #tpu.memory_space<vmem>>, vector<1x64xf32>
    %add3A_49 = vector.broadcast %get3A_48 : vector<1x64xf32> to vector<10000x64xf32>
    %add3A_50 = arith.addf %dot_general3A_45, %add3A_49 : vector<10000x64xf32>
    %reduce_max3A = arith.constant dense<0xFF800000> : vector<10000xf32>
    %reduce_max3A_51 = vector.multi_reduction <maximumf>, %add3A_50, %reduce_max3A [1] : vector<10000x64xf32> to vector<10000xf32>
    %broadcast_in_dim3A_52 = vector.shape_cast %reduce_max3A_51 : vector<10000xf32> to vector<10000x1xf32>
    %sub3A = vector.broadcast %broadcast_in_dim3A_52 : vector<10000x1xf32> to vector<10000x64xf32>
    %sub3A_53 = arith.subf %add3A_50, %sub3A : vector<10000x64xf32>
    %exp3A = math.exp %sub3A_53 : vector<10000x64xf32>
    %reduce_sum3A_54 = arith.constant dense<0.000000e+00> : vector<10000xf32>
    %reduce_sum3A_55 = vector.multi_reduction <add>, %exp3A, %reduce_sum3A_54 [1] : vector<10000x64xf32> to vector<10000xf32>
    %broadcast_in_dim3A_56 = vector.shape_cast %reduce_sum3A_55 : vector<10000xf32> to vector<10000x1xf32>
    %div3A_57 = vector.broadcast %broadcast_in_dim3A_56 : vector<10000x1xf32> to vector<10000x64xf32>
    %div3A_58 = arith.divf %exp3A, %div3A_57 : vector<10000x64xf32>
    %swap3A = arith.constant 0 : index
    %swap3A_59 = arith.constant 0 : index
    %swap3A_60 = vector.load %arg8[%swap3A, %swap3A_59] : memref<10000x64xf32, #tpu.memory_space<vmem>>, vector<10000x64xf32>
    tpu.vector_store %arg8[%swap3A, %swap3A_59], %div3A_58 {strides = array<i32>} : memref<10000x64xf32, #tpu.memory_space<vmem>>, vector<10000x64xf32>,
    return
  }
}

module attributes {stable_mosaic.version = 14 : i64} {
  func.func @_tc_mid_body(%arg0: memref<2x10000x128xf32, #tpu.memory_space<vmem>>, %arg1: memref<32x1x10000xf32, #tpu.memory_space<vmem>>, %arg2: memref<10000x128xf32, #tpu.memory_space<vmem>>, %arg3: memref<128x128xf32, #tpu.memory_space<vmem>>, %arg4: memref<1x128xf32, #tpu.memory_space<vmem>>, %arg5: memref<128x128xf32, #tpu.memory_space<vmem>>, %arg6: memref<10000x128xf32, #tpu.memory_space<vmem>>) attributes {dimension_semantics = [], scalar_prefetch = 0 : i64, scratch_operands = 0 : i64, tpu.core_type = #tpu.core_type<tc>} {
    %get3A = arith.constant 0 : index
    %get3A_0 = arith.constant 0 : index
    %get3A_1 = arith.constant 0 : index
    %get3A_2 = vector.load %arg1[%get3A, %get3A_0, %get3A_1] : memref<32x1x10000xf32, #tpu.memory_space<vmem>>, vector<32x1x10000xf32>
    %get3A_3 = vector.shape_cast %get3A_2 : vector<32x1x10000xf32> to vector<32x10000xf32>
    %transpose3A = tpu.transpose %get3A_3, [1, 0] : vector<32x10000xf32> -> vector<10000x32xf32>
    %reduce_sum3A = arith.constant dense<0.000000e+00> : vector<10000xf32>
    %reduce_sum3A_4 = vector.multi_reduction <add>, %transpose3A, %reduce_sum3A [1] : vector<10000x32xf32> to vector<10000xf32>
    %broadcast_in_dim3A = vector.shape_cast %reduce_sum3A_4 : vector<10000xf32> to vector<10000x1xf32>
    %max3A = arith.constant 1.000000e+00 : f32
    %max3A_5 = vector.broadcast %max3A : f32 to vector<10000x1xf32>
    %max3A_6 = arith.maximumf %broadcast_in_dim3A, %max3A_5 : vector<10000x1xf32>
    %div3A = arith.constant 1.000000e+00 : f32
    %div3A_7 = vector.broadcast %div3A : f32 to vector<10000x1xf32>
    %div3A_8 = arith.divf %div3A_7, %max3A_6 : vector<10000x1xf32>
    %get3A_9 = arith.constant 0 : index
    %get3A_10 = arith.constant 0 : index
    %get3A_11 = arith.constant 0 : index
    %get3A_12 = vector.load %arg0[%get3A_9, %get3A_10, %get3A_11] : memref<2x10000x128xf32, #tpu.memory_space<vmem>>, vector<1x10000x128xf32>
    %get3A_13 = vector.shape_cast %get3A_12 : vector<1x10000x128xf32> to vector<10000x128xf32>
    %get3A_14 = arith.constant 1 : index
    %get3A_15 = arith.constant 0 : index
    %get3A_16 = arith.constant 0 : index
    %get3A_17 = vector.load %arg0[%get3A_14, %get3A_15, %get3A_16] : memref<2x10000x128xf32, #tpu.memory_space<vmem>>, vector<1x10000x128xf32>
    %get3A_18 = vector.shape_cast %get3A_17 : vector<1x10000x128xf32> to vector<10000x128xf32>
    %add3A = arith.addf %get3A_13, %get3A_18 : vector<10000x128xf32>
    %mul3A = vector.broadcast %div3A_8 : vector<10000x1xf32> to vector<10000x128xf32>
    %mul3A_19 = arith.mulf %add3A, %mul3A : vector<10000x128xf32>
    %get3A_20 = arith.constant 0 : index
    %get3A_21 = arith.constant 0 : index
    %get3A_22 = vector.load %arg3[%get3A_20, %get3A_21] : memref<128x128xf32, #tpu.memory_space<vmem>>, vector<128x128xf32>
    %dot_general3A = arith.constant dense<0.000000e+00> : vector<10000x128xf32>
    %dot_general3A_23 = tpu.matmul %mul3A_19, %get3A_22, %dot_general3A {dimension_numbers = #tpu.dot_dimension_numbers<[1], [0], [0], [1], [0, 0, 1, 1], [], []>, transpose_lhs_hint = false} : vector<10000x128xf32>, vector<128x128xf32>, vector<10000x128xf32> -> vector<10000x128xf32>
    %get3A_24 = arith.constant 0 : index
    %get3A_25 = arith.constant 0 : index
    %get3A_26 = vector.load %arg4[%get3A_24, %get3A_25] : memref<1x128xf32, #tpu.memory_space<vmem>>, vector<1x128xf32>
    %add3A_27 = vector.broadcast %get3A_26 : vector<1x128xf32> to vector<10000x128xf32>
    %add3A_28 = arith.addf %dot_general3A_23, %add3A_27 : vector<10000x128xf32>
    %get3A_29 = arith.constant 0 : index
    %get3A_30 = arith.constant 0 : index
    %get3A_31 = vector.load %arg2[%get3A_29, %get3A_30] : memref<10000x128xf32, #tpu.memory_space<vmem>>, vector<10000x128xf32>
    %get3A_32 = arith.constant 0 : index
    %get3A_33 = arith.constant 0 : index
    %get3A_34 = vector.load %arg5[%get3A_32, %get3A_33] : memref<128x128xf32, #tpu.memory_space<vmem>>, vector<128x128xf32>
    %dot_general3A_35 = arith.constant dense<0.000000e+00> : vector<10000x128xf32>
    %dot_general3A_36 = tpu.matmul %get3A_31, %get3A_34, %dot_general3A_35 {dimension_numbers = #tpu.dot_dimension_numbers<[1], [0], [0], [1], [0, 0, 1, 1], [], []>, transpose_lhs_hint = false} : vector<10000x128xf32>, vector<128x128xf32>, vector<10000x128xf32> -> vector<10000x128xf32>
    %add3A_37 = arith.addf %add3A_28, %dot_general3A_36 : vector<10000x128xf32>
    %max3A_38 = arith.constant 0.000000e+00 : f32
    %max3A_39 = vector.broadcast %max3A_38 : f32 to vector<10000x128xf32>
    %max3A_40 = arith.maximumf %add3A_37, %max3A_39 : vector<10000x128xf32>
    %swap3A = arith.constant 0 : index
    %swap3A_41 = arith.constant 0 : index
    %swap3A_42 = vector.load %arg6[%swap3A, %swap3A_41] : memref<10000x128xf32, #tpu.memory_space<vmem>>, vector<10000x128xf32>
    tpu.vector_store %arg6[%swap3A, %swap3A_41], %max3A_40 {strides = array<i32>} : memref<10000x128xf32, #tpu.memory_space<vmem>>, vector<10000x128xf32>,
    return
  }
}

</mosaic_0001>

<sc_bundles>
// kernel: kernel.6.cloned.1.call-start
scs
__scs_entry_jumppad:
0x0: {  	(pc) =	sbr.rel $0x88, $3  }
0x1: {  	(tag) =	ssettag $0x0;
	lr =	simm.s32 $0x1  }
0x2: {  	[smem:$0x3F97] =	sst lr;
	_ =	strace $0xD0000000  }
0x3: {  	_ = 	snop  }
0x4: {  	_ = 	snop  }
0x5: {  	_ = 	snop  }
0x6: {  	_ = 	snop  }
0x7: {  	_ = 	snop  }
__scs_overlays_trampoline_lowered:
0x8: {  	[smem:$0x3FA6] =	sst s0  }
0x9: {  	[smem:$0x3FA7] =	sst s1  }
0xa: {  	[smem:$0x3FA8] =	sst s2  }
0xb: {  	[smem:$0x3FA9] =	sst s3  }
0xc: {  	[smem:$0x3FAA] =	sst s4  }
0xd: {  	[smem:$0x3FAB] =	sst s5  }
0xe: {  	[smem:$0x3FAC] =	sst s6  }
0xf: {  	[smem:$0x3FAD] =	sst s7  }
0x10: {  	[smem:$0x3FAE] =	sst s8  }
0x11: {  	[smem:$0x3FAF] =	sst s9;
	s0 =	simm.s32 @!p0 $0x0  }
0x12: {  	s1 =	sld [smem:$0x3F95];
	s0 =	simm.s32 @p0 $0x1  }
0x13: {  	[smem:$0x3FB0] =	sst s0;
	s0 =	simm.s32 @!p1 $0x0  }
0x14: {  	s2 =	sld [smem:$0x3F94];
	s0 =	simm.s32 @p1 $0x1  }
0x15: {  	[smem:$0x3FB1] =	sst s0;
	s0 =	simm.s32 @!p2 $0x0  }
0x16: {  	s3 =	sld [smem:$0x3FDB];
	s0 =	simm.s32 @p2 $0x1  }
0x17: {  	s4 =	simm.s32 $0x1BF5;
	[smem:$0x3FB3] =	sst s0  }
0x18: {  	s0 =	sld [smem:$0x3F96];
	_ =	swait.ge [sflag:s4], $0x0  }
0x19: {  	s7 =	sld [smem:$0x3F97]  }
0x1a: {  	s8 =	sadd.s32 $0xFFFFE003, lr  }
0x1b: {  	s9 =	sadd.s32 $0xFFFFFEF7, lr;
	s5 =	simm.s32 $0xFFFFFFFF;
	p2 =	slt.u32 s8, $0xFFFFF086  }
0x1c: {  	p1 =	slt.u32 s9, $0xF7A;
	s5 =	simm.s32 @!p2 $0x0  }
0x1d: {  	s5 =	simm.s32 @p1 $0x1;
	p0 =	seq.s32 s7, s2  }
0x1e: {  	s7 =	smul.u32 @!p0 $0xF7A, s2;
	p2 =	seq.s32 @!p0 s5, $0x0  }
0x1f: {  	s9 =	smul.u32 $0xF7A, s1;
	s8 =	simm.s32 @!p0 $0x1BF5;
	p2 =	por !p2, p0  }
0x20: {  	[sflag:s8] =	ssyncset.s32 @!p0 $0xFFFFF086;
	s6 =	sadd.s32 @!p0 s3, s7;
	s7 =	simm.s32 @!p0 $0x108  }
0x21: {  	s3 =	sadd.s32 s3, s9;
	s6 =	sadd.s32 @!p0 $0x88, s6;
	s7 =	simm.s32 @p2 $0x1082  }
0x22: {  	[simem:s7], [sflag:s8] =	dma.local @!p0 [hbm:s6], $0xF7A  }
0x23: {  	s9 =	sor.u32 $0xD0000000, s2;
	s6 =	simm.s32 $0x108;
	_ =	swait.ge @!p0 [sflag:s8], $0x0  }
0x24: {  	s3 =	sadd.s32 $0x88, s3;
	s6 =	simm.s32 @!p1 $0x1082;
	[sflag:s4] =	ssyncset.s32 $0xFFFFF086  }
0x25: {  	[simem:s6], [sflag:s4] =	dma.local [hbm:s3], $0xF7A  }
0x26: {  	[smem:$0x3F97] =	sst s1;
	(tag) =	ssettag s2;
	_ =	strace s9  }
0x27: {  	s1 =	sld [smem:$0x3FA7]  }
0x28: {  	s2 =	sld [smem:$0x3FA8]  }
0x29: {  	s4 =	sld [smem:$0x3FAA]  }
0x2a: {  	p0 =	seq.s32 s5, $0x0;
	s5 =	sld [smem:$0x3FAB]  }
0x2b: {  	s6 =	sld [smem:$0x3FAC]  }
0x2c: {  	s7 =	sld [smem:$0x3FAD]  }
0x2d: {  	s3 =	simm.s32 $0x108;
	s8 =	sld [smem:$0x3FAE]  }
0x2e: {  	s3 =	simm.s32 @!p0 $0x1082;
	s9 =	sld [smem:$0x3FAF]  }
0x2f: {  	lr =	sadd.s32 s0, s3;
	s0 =	sld [smem:$0x3FA6]  }
0x30: {  	s3 =	sld [smem:$0x3FA9]  }
0x31: {  	[smem:$0x3FB2] =	sst s10  }
0x32: {  	s10 =	sld [smem:$0x3FB0];
	_ =	sdelay $0x3  }
0x33: {  	p0 =	seq.s32 s10, $0x1;
	s10 =	sld [smem:$0x3FB2];
	_ =	sdelay $0x3  }
0x34: {  	[smem:$0x3FB2] =	sst s10  }
0x35: {  	s10 =	sld [smem:$0x3FB1];
	_ =	sdelay $0x3  }
0x36: {  	p1 =	seq.s32 s10, $0x1;
	s10 =	sld [smem:$0x3FB2];
	_ =	sdelay $0x3  }
0x37: {  	[smem:$0x3FB2] =	sst s10  }
0x38: {  	s10 =	sld [smem:$0x3FB3]  }
0x39: {  	_ = 	snop;
	(pc) =	sbr.ind lr, $3  }
0x3a: {  	_ = 	snop  }
0x3b: {  	_ = 	snop  }
0x3c: {  	p2 =	seq.s32 s10, $0x1;
	s10 =	sld [smem:$0x3FB2]  }
0x3d: {  	_ =	shalt  }
0x3e: {  	_ =	shalt  }
0x3f: {  	_ =	shalt  }
0x40: {  	_ =	shalt  }
0x41: {  	_ =	shalt  }
0x42: {  	_ =	shalt  }
0x43: {  	_ =	shalt  }
0x44: {  	_ =	shalt  }
0x45: {  	_ =	shalt  }
0x46: {  	_ =	shalt  }
0x47: {  	_ =	shalt  }
0x48: {  	_ =	shalt  }
0x49: {  	_ =	shalt  }
0x4a: {  	_ =	shalt  }
0x4b: {  	_ =	shalt  }
0x4c: {  	_ =	shalt  }
0x4d: {  	_ =	shalt  }
0x4e: {  	_ =	shalt  }
0x4f: {  	_ =	shalt  }
0x50: {  	_ =	shalt  }
0x51: {  	_ =	shalt  }
0x52: {  	_ =	shalt  }
0x53: {  	_ =	shalt  }
0x54: {  	_ =	shalt  }
0x55: {  	_ =	shalt  }
0x56: {  	_ =	shalt  }
0x57: {  	_ =	shalt  }
0x58: {  	_ =	shalt  }
0x59: {  	_ =	shalt  }
0x5a: {  	_ =	shalt  }
0x5b: {  	_ =	shalt  }
0x5c: {  	_ =	shalt  }
0x5d: {  	_ =	shalt  }
0x5e: {  	_ =	shalt  }
0x5f: {  	_ =	shalt  }
0x60: {  	_ =	shalt  }
0x61: {  	_ =	shalt  }
0x62: {  	_ =	shalt  }
0x63: {  	_ =	shalt  }
0x64: {  	_ =	shalt  }
0x65: {  	_ =	shalt  }
0x66: {  	_ =	shalt  }
0x67: {  	_ =	shalt  }
0x68: {  	_ =	shalt  }
0x69: {  	_ =	shalt  }
0x6a: {  	_ =	shalt  }
0x6b: {  	_ =	shalt  }
0x6c: {  	_ =	shalt  }
0x6d: {  	_ =	shalt  }
0x6e: {  	_ =	shalt  }
0x6f: {  	_ =	shalt  }
0x70: {  	_ =	shalt  }
0x71: {  	_ =	shalt  }
0x72: {  	_ =	shalt  }
0x73: {  	_ =	shalt  }
0x74: {  	_ =	shalt  }
0x75: {  	_ =	shalt  }
0x76: {  	_ =	shalt  }
0x77: {  	_ =	shalt  }
0x78: {  	_ =	shalt  }
0x79: {  	_ =	shalt  }
0x7a: {  	_ =	shalt  }
0x7b: {  	_ =	shalt  }
0x7c: {  	_ =	shalt  }
0x7d: {  	_ =	shalt  }
0x7e: {  	_ =	shalt  }
0x7f: {  	_ =	shalt  }
0x80: {  	_ =	shalt  }
0x81: {  	_ =	shalt  }
0x82: {  	_ =	shalt  }
0x83: {  	_ =	shalt  }
0x84: {  	_ =	shalt  }
0x85: {  	_ =	shalt  }
0x86: {  	_ =	shalt  }
0x87: {  	_ =	shalt  }
.Lfunc_end0:
.L_simem_size_0:
called_computation_lowered:
.L_overlay_start_0:
0x88: {  	s2 =	sld [smem:$0x3FD9]  }
0x89: {  	s3 =	sld [smem:$0x3FFE];
	_ =	sdelay $0x1  }
0x8a: {  	s1 =	srdreg.scid  }
0x8b: {  	s0 =	sand.u32 $0x1, s1  }
0x8c: {  	s17 =	sshll.u32 s0, $0xA;
	s2 =	sadd.s32 s3, s2  }
0x8d: {  	s2 =	sadd.s32 s2, s17  }
0x8e: {  	[smem:$0x3FBE] =	sst s2  }
0x8f: {  	_ = 	snop  }
0x90: {  	s2 =	sld [smem:$0x3FC9]  }
0x91: {  	s18 =	sld [smem:$0x3FC8]  }
0x92: {  	s4 =	sld [smem:$0x3FD0];
	(tm) =	ssettm $0x1  }
0x93: {  	s5 =	sld [smem:$0x3FFB];
	_ =	sdelay $0x3  }
0x94: {  	_ =	strace s5  }
0x95: {  	s5 =	sld [smem:$0x3FFC];
	_ =	sdelay $0x3  }
0x96: {  	_ =	strace s5  }
0x97: {  	s5 =	sld [smem:$0x3FFD];
	_ =	sdelay $0x3  }
0x98: {  	_ =	strace s5  }
0x99: {  	_ =	strace $0x8FFFFFFF  }
0x9a: {  	s19 =	sld [smem:$0x3FDB];
	_ =	sdelay $0x1  }
0x9b: {  	s6 =	simm.s32 $_scs_section_size  }
0x9c: {  	s7 =	simm.s32 $_size__tile_overlayer_lowered;
	s8 =	simm.s32 $_tile_overlayer_lowered  }
0x9d: {  	s22 =	simm.s32 $0x1BFF;
	s21 =	sshll.u32 s8, $0x1;
	s5 =	sadd.s32 s6, s19  }
0x9e: {  	s9 =	simm.s32 $0x0;
	s20 =	sshll.u32 s7, $0x1;
	s7 =	sadd.s32 s21, s5  }
0x9f: {  	[timem:s9], [sflag:s22] =	dma.local [hbm:s7], s20  }
0xa0: {  	_ =	swait.ge [sflag:s22], s20  }
0xa1: {  	s6 =	ssub.s32 $0x0, s20;
	[sflag:s22] =	ssyncset.done $0x0  }
0xa2: {  	[sflag:s22] =	ssyncadd.s32 s6;
	_ =	sdelay $0x1  }
0xa3: {  	s23 =	simm.s32 $0x1B8B  }
0xa4: {  	_ =	swait.ge [sflag:s23], $0x1  }
0xa5: {  	[sflag:s23] =	ssyncset.done $0x0  }
0xa6: {  	s25 =	simm.s32 $0x1B8E;
	s24 =	sld [smem:$0x3FFE];
	[sflag:s23] =	ssyncadd.s32 $0xFFFFFFFF  }
0xa7: {  	s26 =	simm.s32 $execute0_lowered;
	[smem:$0x3FD2] =	sst s25  }
0xa8: {  	s7 =	sshll.u32 s26, $0x1;
	_ =	strace $0x80000046;
	[dreg:$0x1] =	wrdreg $0xFFFFFFFF  }
0xa9: {  	s28 =	simm.s32 $_size_execute0_lowered;
	s5 =	sadd.s32 s5, s7;
	[dreg:$0x0] =	wrdreg $0x0  }
0xaa: {  	s7 =	sshll.u32 s28, $0x1;
	[dreg:$0x2] =	wrdreg s5  }
0xab: {  	[dreg:$0x3] =	wrdreg s7  }
0xac: {  	[dreg:$0x4] =	wrdreg $0xC0  }
0xad: {  	_ =	task [dreg:s9], $0x5FFFF  }
0xae: {  	[dreg:$0x1] =	wrdreg $0xFFFFFFFF  }
0xaf: {  	[dreg:$0x0] =	wrdreg $0x60  }
0xb0: {  	[dreg:$0x2] =	wrdreg s2  }
0xb1: {  	[dreg:$0x3] =	wrdreg s18  }
0xb2: {  	[dreg:$0x4] =	wrdreg s24  }
0xb3: {  	[dreg:$0x5] =	wrdreg s4  }
0xb4: {  	[dreg:$0x6] =	wrdreg $0x0  }
0xb5: {  	[dreg:$0x7] =	wrdreg $0x9  }
0xb6: {  	_ =	task.clear_ibuf [dreg:s9], $0x8FFFF;
	_ =	strace $0x90000046  }
0xb7: {  	s29 =	simm.s32 $0x9;
	_ =	strace $0x80000048  }
0xb8: {  	_ =	swait.ge [sflag:s29], $0x1  }
0xb9: {  	[sflag:s29] =	ssyncadd.s32 $0xFFFFFFFF  }
0xba: {  	_ =	strace $0x90000048  }
0xbb: {  	_ =	sfence  }
0xbc: {  	s30 =	sld [smem:$0x0];
	_ =	sdelay $0x2  }
0xbd: {  	s31 =	sshll.u32 s1, $0xD;
	s1 =	sshrl.u32 s1, $0x2  }
0xbe: {  	s3 =	sand.u32 $0x4000, s31;
	s1 =	sadd.s32 s1, s30  }
0xbf: {  	s0 =	sor.u32 s3, s0;
	s1 =	sshll.u32 s1, $0x11  }
0xc0: {  	s0 =	sor.u32 s1, s0  }
0xc1: {  	s0 =	sadd.s32 $0x8F2B, s0  }
0xc2: {  	[sflag:s0] =	ssyncadd.remote.s32 $0x1  }
0xc3: {  	_ =	sfence.sel $0xFFFF  }
0xc4: {  	[dreg:$0x0] =	wrdreg $0xFFFFFFFF;
	(pc) =	sbr.abs _section_cstart, $3  }
0xc5: {  	[dreg:$0x1] =	wrdreg $0xFFFFFFFF  }
0xc6: {  	_ =	task.clear_ibuf [dreg:s9], $0x2FFFF;
	_ =	strace $0x9FFFFFFF  }
0xc7: {  	(tm) =	ssettm $0x7FFFFFFF  }
tec
execute0_lowered:
.L_overlay_start_1:
0x0: {  	(tag) =	ssettag $0x1  }
0x1: {  	s1 =	rddreg [dreg:$0x0]  }
0x2: {  	s0 =	rddreg [dreg:$0x1]  }
0x3: {  	s5 =	rddreg [dreg:$0x2]  }
0x4: {  	s12 =	rddreg [dreg:$0x3]  }
0x5: {  	s2 =	rddreg [dreg:$0x4];
	s3 =	simm.s32 $0x0;
	s6 =	srdreg.scid  }
0x6: {  	s4 =	stileid.u32;
	s28 =	simm.s32 $0x13900;
	s29 =	simm.s32 $0x1BA80  }
0x7: {  	s30 =	simm.s32 $0x13A00;
	s31 =	simm.s32 $0x3;
	s7 =	smul.u32 $0x4E000, s4  }
0x8: {  	[smem:$0x7FF] =	sst s3;
	s8 =	sand.u32 $0x1, s6;
	s10 =	smul.u32 $0x2700, s4  }
0x9: {  	s13 =	sadd.s32 $0x2A00, s5;
	s18 =	smul.u32 $0x13800, s4;
	p0 =	sne.s32 s4, $0x0  }
0xa: {  	p1 =	sne.s32 s4, $0xF;
	_ =	strace $0x80000047;
	s9 =	smul.u32 $0x27100, s8  }
0xb: {  	s6 =	ssub.s32 $0x2, s8;
	s11 =	sshll.u32 s8, $0x4;
	s16 =	smul.u32 $0x138800, s8  }
0xc: {  	s20 =	sshrl.u32 s6, $0x1;
	s7 =	sshrl.u32 s7, $0x2;
	s21 =	sor.u32 s4, s11  }
0xd: {  	s11 =	sadd.s32 $0x138000, s2;
	s17 =	ssub.s32 s6, s20;
	s5 =	sadd.s32 s7, s2  }
0xe: {  	s15 =	sadd.s32 s10, s9;
	s14 =	smul.u32 $0x4F0, s21;
	s23 =	sadd.s32 s18, s16  }
0xf: {  	s16 =	sshrl.u32 s16, $0x3;
	s20 =	simm.s32 $0x4;
	s21 =	simm.s32 $0x13880  }
0x10: {  	s6 =	sadd.s32 $0x4000, s5;
	s7 =	sadd.s32 $0x8000, s5;
	s9 =	sshrl.u32 s15, $0x2  }
0x11: {  	s8 =	sadd.s32 $0xC000, s5;
	s10 =	sadd.s32 $0x10000, s5;
	s24 =	sor.u32 $0x80, s15  }
0x12: {  	s25 =	sadd.s32 s13, s16;
	s17 =	smax.u32 s17, $0x1;
	s9 =	sadd.s32 s9, s0  }
0x13: {  	s14 =	sadd.s32 s12, s14;
	s12 =	sshrl.u32 s23, $0x3;
	s26 =	sshrl.u32 s24, $0x2  }
.Ltmp0:
0x14: {  	s16 =	sadd.s32 $0x27000, s25;
	s23 =	simm.s32 $0x1;
	(pc) =	sbr.rel .LBB2_1-.Ltmp0, $4  }
0x15: {  	s24 =	simm.s32 $0x80;
	s25 =	simm.s32 $0x17A80;
	s19 =	sadd.s32 $0x9C0, s9  }
0x16: {  	s22 =	sadd.s32 $0x9E0, s9;
	s15 =	sadd.s32 s13, s12;
	s18 =	sadd.s32 s26, s0  }
0x17: {  	s26 =	simm.s32 $0x2;
	s0 =	simm.s32 $0x0;
	[dreg:$0x6] =	wrdreg s19  }
0x18: {  	v0 =	vimm.f32 $0.0e+00;
	v1 =	vimm.f32 $1.000000000e+00;
	[dreg:$0x7] =	wrdreg s22;
	s19 =	simm.s32 $0x13A80;
	s22 =	simm.s32 $0x13980  }
.LBB2_9:
0x19: {  	[hbm4b:s14+s3] =	stream.linear.scatter [tilespmem:s29], [sflag:$0x4], $0x2780, $0x38;
	[tilespmem:$0x1E200] =	vst v63  }
0x1a: {  	_ =	swait.ge [sflag:s20], $0x2780  }
0x1b: {  	[sflag:s20] =	ssyncset.done $0x0  }
0x1c: {  	s12 =	sshll.u32 s4, $0x6;
	[sflag:s20] =	ssyncadd.s32 $0xFFFFD880  }
0x1d: {  	s13 =	sshrl.u32 s5, $0x3;
	s12 =	sor.u32 $0x1C04, s12;
	[bflag:$0x0] =	sbarrier.arrive $0xFFFF  }
0x1e: {  	[hbm:s15], [sflag:s12] =	dma.local [spmem:s13], $0x2700  }
0x1f: {  	_ =	swait.ge [sflag:s20], $0x2700  }
0x20: {  	s0 =	sadd.s32 $0x1, s0;
	[sflag:s20] =	ssyncset.done $0x0  }
0x21: {  	p2 =	sne.s32 s0, s17;
	s13 =	sshrl.u32 @!p0 s11, $0x3;
	[sflag:s20] =	ssyncadd.s32 $0xFFFFD900  }
0x22: {  	[hbm:s16], [sflag:s12] =	dma.local @!p0 [spmem:s13], $0x100  }
.Ltmp1:
0x23: {  	_ = 	snop;
	(pc) =	sbr.rel @!p2 .LBB2_10-.Ltmp1, $4  }
0x24: {  	s12 =	simm.s32 @!p0 $0x4  }
0x25: {  	_ =	swait.ge @!p0 [sflag:s12], $0x100  }
0x26: {  	[sflag:s12] =	ssyncset.done @!p0 $0x0  }
0x27: {  	[sflag:s12] =	ssyncadd.s32 @!p0 $0xFFFFFF00  }
.LBB2_1:
0x28: {  	s12 =	simm.s32 $0x0;
	s13 =	simm.s32 $0x200  }
.LBB2_2:
0x29: {  	p2 =	sne.s32 s13, $0xFE00;
	[tilespmem:s12+$0x13AF0] =	vst v0  }
0x2a: {  	[tilespmem:s12+$0x13A80] =	vst v0  }
0x2b: {  	[tilespmem:s12+$0x13A90] =	vst v0  }
.Ltmp2:
0x2c: {  	[tilespmem:s12+$0x13AA0] =	vst v0;
	(pc) =	sbr.rel @p2 .LBB2_2-.Ltmp2, $4  }
0x2d: {  	[tilespmem:s12+$0x13AB0] =	vst v0  }
0x2e: {  	[tilespmem:s12+$0x13AC0] =	vst v0  }
0x2f: {  	[tilespmem:s12+$0x13AD0] =	vst v0  }
0x30: {  	[tilespmem:s12+$0x13AE0] =	vst v0;
	s12 =	sshra.s32 s13, $0x2;
	s13 =	sadd.s32 $0x200, s13  }
0x31: {  	[tilespmem:s12+$0x13AF0] =	vst v0  }
0x32: {  	[tilespmem:s12+$0x13A80] =	vst v0  }
0x33: {  	[tilespmem:s12+$0x13A90] =	vst v0  }
0x34: {  	[tilespmem:s12+$0x13AA0] =	vst v0  }
0x35: {  	[tilespmem:s12+$0x13AB0] =	vst v0  }
0x36: {  	[tilespmem:s12+$0x13AC0] =	vst v0  }
0x37: {  	[tilespmem:s12+$0x13AD0] =	vst v0  }
0x38: {  	[tilespmem:s12+$0x13AE0] =	vst v0  }
0x39: {  	[spmem:s5] =	stream.linear.scatter [tilespmem:s19], [sflag:$0x4], $0x4000, $0x38;
	[tilespmem:$0x1E200] =	vst v63  }
0x3a: {  	_ =	swait.ge [sflag:s20], $0x4000  }
0x3b: {  	[sflag:s20] =	ssyncset.done $0x0  }
0x3c: {  	[sflag:s20] =	ssyncadd.s32 $0xFFFFC000  }
0x3d: {  	[spmem:s6] =	stream.linear.scatter [tilespmem:s19], [sflag:$0x4], $0x4000, $0x38;
	[tilespmem:$0x1E200] =	vst v63  }
0x3e: {  	_ =	swait.ge [sflag:s20], $0x4000  }
0x3f: {  	[sflag:s20] =	ssyncset.done $0x0  }
0x40: {  	[sflag:s20] =	ssyncadd.s32 $0xFFFFC000  }
0x41: {  	[spmem:s7] =	stream.linear.scatter [tilespmem:s19], [sflag:$0x4], $0x4000, $0x38;
	[tilespmem:$0x1E200] =	vst v63  }
0x42: {  	_ =	swait.ge [sflag:s20], $0x4000  }
0x43: {  	[sflag:s20] =	ssyncset.done $0x0  }
0x44: {  	[sflag:s20] =	ssyncadd.s32 $0xFFFFC000  }
0x45: {  	[spmem:s8] =	stream.linear.scatter [tilespmem:s19], [sflag:$0x4], $0x4000, $0x38;
	[tilespmem:$0x1E200] =	vst v63  }
0x46: {  	_ =	swait.ge [sflag:s20], $0x4000  }
0x47: {  	[sflag:s20] =	ssyncset.done $0x0  }
0x48: {  	[sflag:s20] =	ssyncadd.s32 $0xFFFFC000  }
0x49: {  	[spmem:s10] =	stream.linear.scatter [tilespmem:s19], [sflag:$0x4], $0x3800, $0x38;
	[tilespmem:$0x1E200] =	vst v63  }
0x4a: {  	_ =	swait.ge [sflag:s20], $0x3800  }
0x4b: {  	[sflag:s20] =	ssyncset.done $0x0  }
0x4c: {  	s12 =	simm.s32 @!p0 $0x13A80;
	[sflag:s20] =	ssyncadd.s32 $0xFFFFC800  }
0x4d: {  	[spmem:s11] =	stream.linear.scatter @!p0 [tilespmem:s12], [sflag:$0x4], $0x800, $0x38;
	[tilespmem:$0x1E200] =	vst v63  }
0x4e: {  	s12 =	simm.s32 @!p0 $0x4  }
0x4f: {  	_ =	swait.ge @!p0 [sflag:s12], $0x800  }
0x50: {  	[sflag:s12] =	ssyncset.done @!p0 $0x0  }
0x51: {  	s13 =	simm.s32 $0x0;
	[sflag:s12] =	ssyncadd.s32 @!p0 $0xFFFFF800;
	s12 =	simm.s32 $0x40  }
.LBB2_4:
0x52: {  	p2 =	sne.s32 s12, $0x9C00;
	[tilespmem:s13+$0x1BA80] =	vst v0;
	s13 =	smov.u32 s12;
	s12 =	sadd.s32 $0x40, s12  }
.Ltmp3:
0x53: {  	(pc) =	sbr.rel @p2 .LBB2_4-.Ltmp3, $2  }
0x54: {  	_ =	sdelay $0x2  }
0x55: {  	s13 =	sshra.s32 s13, $0x2  }
0x56: {  	[tilespmem:s13+$0x1BA80] =	vst v0  }
0x57: {  	s12 =	simm.s32 $0x0;
	[bflag:$0x0] =	sbarrier.arrive $0xFFFF  }
.LBB2_6:
0x58: {  	s13 =	sadd.s32 s12, s9  }
0x59: {  	[tilespmem:s21], [sflag:$0x1] =	stream.linear.gather [hbm4b:s13+s3], $0x100, $0x38;
	[tilespmem:$0x1E200] =	vst v63  }
0x5a: {  	s13 =	sadd.s32 s12, s18  }
0x5b: {  	[tilespmem:s22], [sflag:$0x1] =	stream.linear.gather [hbm4b:s13+s3], $0x100, $0x38;
	[tilespmem:$0x1E200] =	vst v63  }
0x5c: {  	_ =	swait.ge [sflag:s23], $0x100  }
0x5d: {  	[sflag:s23] =	ssyncset.done $0x0  }
0x5e: {  	[sflag:s23] =	ssyncadd.s32 $0xFFFFFF00  }
0x5f: {  	[tilespmem:s19], [sflag:$0x2] =	stream.indirect.gather [hbm4b:s1+s24], $0x80, s21, s24, $0xb8;
	[tilespmem:$0x1E200] =	vst v63  }
0x60: {  	_ =	swait.ge [sflag:s23], $0x100  }
0x61: {  	[sflag:s23] =	ssyncset.done $0x0  }
0x62: {  	[sflag:s23] =	ssyncadd.s32 $0xFFFFFF00  }
0x63: {  	[tilespmem:s25], [sflag:$0x2] =	stream.indirect.gather [hbm4b:s1+s24], $0x80, s22, s24, $0xb8;
	[tilespmem:$0x1E200] =	vst v63  }
0x64: {  	_ =	swait.ge [sflag:s26], $0x4000  }
0x65: {  	[sflag:s26] =	ssyncset.done $0x0  }
0x66: {  	[sflag:s26] =	ssyncadd.s32 $0xFFFFC000  }
0x67: {  	[spmem:s2] =	stream.indirect.scatter.add.f32 [tilespmem:s19], [sflag:$0x3], $0x80, s28, s24, $0xb8;
	[tilespmem:$0x1E200] =	vst v63  }
0x68: {  	v2 =	vld [tilespmem:$0x13900];
	_ =	sdelay $0x7  }
0x69: {  	[tilespmem:v2+s29+$0x0] =	vst.idx.add.f32.msk $0xffff, v1  }
0x6a: {  	v2 =	vld [tilespmem:$0x13910];
	_ =	sdelay $0x7  }
0x6b: {  	[tilespmem:v2+s29+$0x0] =	vst.idx.add.f32.msk $0xffff, v1  }
0x6c: {  	v2 =	vld [tilespmem:$0x13920];
	_ =	sdelay $0x7  }
0x6d: {  	[tilespmem:v2+s29+$0x0] =	vst.idx.add.f32.msk $0xffff, v1  }
0x6e: {  	v2 =	vld [tilespmem:$0x13930];
	_ =	sdelay $0x7  }
0x6f: {  	[tilespmem:v2+s29+$0x0] =	vst.idx.add.f32.msk $0xffff, v1  }
0x70: {  	v2 =	vld [tilespmem:$0x13940];
	_ =	sdelay $0x7  }
0x71: {  	[tilespmem:v2+s29+$0x0] =	vst.idx.add.f32.msk $0xffff, v1  }
0x72: {  	v2 =	vld [tilespmem:$0x13950];
	_ =	sdelay $0x7  }
0x73: {  	[tilespmem:v2+s29+$0x0] =	vst.idx.add.f32.msk $0xffff, v1  }
0x74: {  	v2 =	vld [tilespmem:$0x13960];
	_ =	sdelay $0x7  }
0x75: {  	[tilespmem:v2+s29+$0x0] =	vst.idx.add.f32.msk $0xffff, v1  }
0x76: {  	v2 =	vld [tilespmem:$0x13970];
	_ =	sdelay $0x7  }
0x77: {  	[tilespmem:v2+s29+$0x0] =	vst.idx.add.f32.msk $0xffff, v1  }
0x78: {  	_ =	swait.ge [sflag:s26], $0x4000  }
0x79: {  	[sflag:s26] =	ssyncset.done $0x0  }
0x7a: {  	[sflag:s26] =	ssyncadd.s32 $0xFFFFC000  }
0x7b: {  	[spmem:s2] =	stream.indirect.scatter.add.f32 [tilespmem:s25], [sflag:$0x3], $0x80, s30, s24, $0xb8;
	[tilespmem:$0x1E200] =	vst v63  }
0x7c: {  	v2 =	vld [tilespmem:$0x13A00];
	_ =	sdelay $0x7  }
0x7d: {  	[tilespmem:v2+s29+$0x0] =	vst.idx.add.f32.msk $0xffff, v1  }
0x7e: {  	v2 =	vld [tilespmem:$0x13A10];
	_ =	sdelay $0x7  }
0x7f: {  	[tilespmem:v2+s29+$0x0] =	vst.idx.add.f32.msk $0xffff, v1  }
0x80: {  	v2 =	vld [tilespmem:$0x13A20];
	_ =	sdelay $0x7  }
0x81: {  	[tilespmem:v2+s29+$0x0] =	vst.idx.add.f32.msk $0xffff, v1  }
0x82: {  	v2 =	vld [tilespmem:$0x13A30];
	_ =	sdelay $0x7  }
0x83: {  	[tilespmem:v2+s29+$0x0] =	vst.idx.add.f32.msk $0xffff, v1  }
0x84: {  	v2 =	vld [tilespmem:$0x13A40];
	_ =	sdelay $0x7  }
0x85: {  	[tilespmem:v2+s29+$0x0] =	vst.idx.add.f32.msk $0xffff, v1  }
0x86: {  	v2 =	vld [tilespmem:$0x13A50];
	_ =	sdelay $0x7  }
0x87: {  	[tilespmem:v2+s29+$0x0] =	vst.idx.add.f32.msk $0xffff, v1  }
0x88: {  	v2 =	vld [tilespmem:$0x13A60];
	_ =	sdelay $0x7  }
0x89: {  	[tilespmem:v2+s29+$0x0] =	vst.idx.add.f32.msk $0xffff, v1  }
0x8a: {  	v2 =	vld [tilespmem:$0x13A70];
	_ =	sdelay $0x7  }
0x8b: {  	[tilespmem:v2+s29+$0x0] =	vst.idx.add.f32.msk $0xffff, v1  }
0x8c: {  	p2 =	sne.s32 s12, $0x980;
	_ =	swait.ge [sflag:s31], $0x4000  }
.Ltmp4:
0x8d: {  	[sflag:s31] =	ssyncset.done $0x0;
	(pc) =	sbr.rel @p2 .LBB2_6-.Ltmp4, $4  }
0x8e: {  	[sflag:s31] =	ssyncadd.s32 $0xFFFFC000  }
0x8f: {  	_ =	swait.ge [sflag:s31], $0x4000  }
0x90: {  	[sflag:s31] =	ssyncset.done $0x0  }
0x91: {  	s12 =	sadd.s32 $0x40, s12;
	[sflag:s31] =	ssyncadd.s32 $0xFFFFC000  }
.Ltmp5:
0x92: {  	(pc) =	sbr.rel @p1 .LBB2_9-.Ltmp5, $1  }
0x93: {  	_ =	sdelay $0x3  }
0x94: {  	s12 =	rddreg [dreg:$0x6]  }
0x95: {  	[tilespmem:s21], [sflag:$0x1] =	stream.linear.gather [hbm4b:s12+s3], $0x100, $0x38;
	[tilespmem:$0x1E200] =	vst v63  }
0x96: {  	s13 =	rddreg [dreg:$0x7]  }
0x97: {  	[tilespmem:s22], [sflag:$0x1] =	stream.linear.gather [hbm4b:s13+s3], $0x100, $0x38;
	[tilespmem:$0x1E200] =	vst v63  }
0x98: {  	_ =	swait.ge [sflag:s23], $0x100  }
0x99: {  	[sflag:s23] =	ssyncset.done $0x0  }
0x9a: {  	[sflag:s23] =	ssyncadd.s32 $0xFFFFFF00  }
0x9b: {  	[tilespmem:s19], [sflag:$0x2] =	stream.indirect.gather [hbm4b:s1+s24], $0x80, s21, s24, $0xb8;
	[tilespmem:$0x1E200] =	vst v63  }
0x9c: {  	_ =	swait.ge [sflag:s23], $0x100  }
0x9d: {  	[sflag:s23] =	ssyncset.done $0x0  }
0x9e: {  	[sflag:s23] =	ssyncadd.s32 $0xFFFFFF00  }
0x9f: {  	[tilespmem:s25], [sflag:$0x2] =	stream.indirect.gather [hbm4b:s1+s24], $0x80, s22, s24, $0xb8;
	[tilespmem:$0x1E200] =	vst v63  }
0xa0: {  	_ =	swait.ge [sflag:s26], $0x4000  }
0xa1: {  	[sflag:s26] =	ssyncset.done $0x0  }
0xa2: {  	[sflag:s26] =	ssyncadd.s32 $0xFFFFC000  }
0xa3: {  	[spmem:s2] =	stream.indirect.scatter.add.f32 [tilespmem:s19], [sflag:$0x3], $0x80, s28, s24, $0xb8;
	[tilespmem:$0x1E200] =	vst v63  }
0xa4: {  	v2 =	vld [tilespmem:$0x13900];
	_ =	sdelay $0x7  }
0xa5: {  	[tilespmem:v2+s29+$0x0] =	vst.idx.add.f32.msk $0xffff, v1  }
0xa6: {  	v2 =	vld [tilespmem:$0x13910];
	_ =	sdelay $0x7  }
0xa7: {  	[tilespmem:v2+s29+$0x0] =	vst.idx.add.f32.msk $0xffff, v1  }
0xa8: {  	v2 =	vld [tilespmem:$0x13920];
	_ =	sdelay $0x7  }
0xa9: {  	[tilespmem:v2+s29+$0x0] =	vst.idx.add.f32.msk $0xffff, v1  }
0xaa: {  	v2 =	vld [tilespmem:$0x13930];
	_ =	sdelay $0x7  }
0xab: {  	[tilespmem:v2+s29+$0x0] =	vst.idx.add.f32.msk $0xffff, v1  }
0xac: {  	v2 =	vld [tilespmem:$0x13940];
	_ =	sdelay $0x7  }
0xad: {  	[tilespmem:v2+s29+$0x0] =	vst.idx.add.f32.msk $0xffff, v1  }
0xae: {  	v2 =	vld [tilespmem:$0x13950];
	_ =	sdelay $0x7  }
0xaf: {  	[tilespmem:v2+s29+$0x0] =	vst.idx.add.f32.msk $0xffff, v1  }
0xb0: {  	v2 =	vld [tilespmem:$0x13960];
	_ =	sdelay $0x7  }
0xb1: {  	[tilespmem:v2+s29+$0x0] =	vst.idx.add.f32.msk $0xffff, v1  }
0xb2: {  	v2 =	vld [tilespmem:$0x13970];
	_ =	sdelay $0x7  }
0xb3: {  	[tilespmem:v2+s29+$0x0] =	vst.idx.add.f32.msk $0xffff, v1  }
0xb4: {  	_ =	swait.ge [sflag:s26], $0x4000  }
0xb5: {  	[sflag:s26] =	ssyncset.done $0x0  }
0xb6: {  	[sflag:s26] =	ssyncadd.s32 $0xFFFFC000  }
0xb7: {  	[spmem:s2] =	stream.indirect.scatter.add.f32 [tilespmem:s25], [sflag:$0x3], $0x80, s30, s24, $0xb8;
	[tilespmem:$0x1E200] =	vst v63  }
0xb8: {  	v2 =	vld [tilespmem:$0x13A00];
	_ =	sdelay $0x7  }
0xb9: {  	[tilespmem:v2+s29+$0x0] =	vst.idx.add.f32.msk $0xffff, v1  }
0xba: {  	v2 =	vld [tilespmem:$0x13A10];
	_ =	sdelay $0x7  }
0xbb: {  	[tilespmem:v2+s29+$0x0] =	vst.idx.add.f32.msk $0xffff, v1  }
0xbc: {  	v2 =	vld [tilespmem:$0x13A20];
	_ =	sdelay $0x7  }
0xbd: {  	[tilespmem:v2+s29+$0x0] =	vst.idx.add.f32.msk $0xffff, v1  }
0xbe: {  	v2 =	vld [tilespmem:$0x13A30];
	_ =	sdelay $0x7  }
0xbf: {  	[tilespmem:v2+s29+$0x0] =	vst.idx.add.f32.msk $0xffff, v1  }
0xc0: {  	v2 =	vld [tilespmem:$0x13A40];
	_ =	sdelay $0x7  }
0xc1: {  	[tilespmem:v2+s29+$0x0] =	vst.idx.add.f32.msk $0xffff, v1  }
0xc2: {  	v2 =	vld [tilespmem:$0x13A50];
	_ =	sdelay $0x7  }
0xc3: {  	[tilespmem:v2+s29+$0x0] =	vst.idx.add.f32.msk $0xffff, v1  }
0xc4: {  	v2 =	vld [tilespmem:$0x13A60];
	_ =	sdelay $0x7  }
0xc5: {  	[tilespmem:v2+s29+$0x0] =	vst.idx.add.f32.msk $0xffff, v1  }
0xc6: {  	v2 =	vld [tilespmem:$0x13A70];
	_ =	sdelay $0x7  }
0xc7: {  	[tilespmem:v2+s29+$0x0] =	vst.idx.add.f32.msk $0xffff, v1  }
0xc8: {  	_ =	swait.ge [sflag:s31], $0x4000  }
.Ltmp6:
0xc9: {  	[sflag:s31] =	ssyncset.done $0x0;
	(pc) =	sbr.rel .LBB2_9-.Ltmp6, $4  }
0xca: {  	[sflag:s31] =	ssyncadd.s32 $0xFFFFC000  }
0xcb: {  	_ =	swait.ge [sflag:s31], $0x4000  }
0xcc: {  	[sflag:s31] =	ssyncset.done $0x0  }
0xcd: {  	[sflag:s31] =	ssyncadd.s32 $0xFFFFC000  }
.LBB2_10:
0xce: {  	_ =	sfence.sel $0x180000  }
0xcf: {  	[bflag:$0x0] =	sbarrier.arrive $0xFFFF  }
0xd0: {  	_ =	strace $0x90000047  }
0xd1: {  	[bflag:$0x2] =	sbarrier.arrive $0xFFFF  }
0xd2: {  	s0 =	rddreg [dreg:$0x5]  }
0xd3: {  	s0 =	sadd.s32 @!p0 $0x100000, s0  }
0xd4: {  	[sflag:s0] =	ssyncadd.tile.s32 @!p0 $0x1;
	_ =	shalt  }
.Lfunc_end2:
_tile_overlayer_lowered:
.L_overlay_start_2:
0xd5: {  	(tag) =	ssettag $0x2  }
0xd6: {  	s0 =	rddreg [dreg:$0x0];
	s2 =	stileid.u32  }
0xd7: {  	s1 =	rddreg [dreg:$0x1];
	p0 =	sne.s32 s2, $0x0  }
0xd8: {  	s3 =	rddreg [dreg:$0x2];
	[bflag:$0x3] =	sbarrier.arrive $0xFFFF;
	s2 =	simm.s32 @!p0 $0x1C04  }
0xd9: {  	[timem:s3], [sflag:s2] =	dma.local @!p0 [hbm:s0], s1  }
0xda: {  	s0 =	simm.s32 @!p0 $0x4  }
0xdb: {  	_ =	swait.ge @!p0 [sflag:s0], s1  }
0xdc: {  	s1 =	ssub.s32 @!p0 $0x0, s1;
	[sflag:s0] =	ssyncset.done @!p0 $0x0  }
0xdd: {  	[sflag:s0] =	ssyncadd.s32 @!p0 s1  }
0xde: {  	[bflag:$0x3] =	sbarrier.arrive $0xFFFF  }
0xdf: {  	_ =	shalt  }

// kernel: kernel.9.cloned.1.call-start
scs
__scs_entry_jumppad:
0x0: {  	(pc) =	sbr.rel $0x88, $3  }
0x1: {  	(tag) =	ssettag $0x0;
	lr =	simm.s32 $0x1  }
0x2: {  	[smem:$0x3F97] =	sst lr;
	_ =	strace $0xD0000000  }
0x3: {  	_ = 	snop  }
0x4: {  	_ = 	snop  }
0x5: {  	_ = 	snop  }
0x6: {  	_ = 	snop  }
0x7: {  	_ = 	snop  }
__scs_overlays_trampoline_lowered:
0x8: {  	[smem:$0x3FA6] =	sst s0  }
0x9: {  	[smem:$0x3FA7] =	sst s1  }
0xa: {  	[smem:$0x3FA8] =	sst s2  }
0xb: {  	[smem:$0x3FA9] =	sst s3  }
0xc: {  	[smem:$0x3FAA] =	sst s4  }
0xd: {  	[smem:$0x3FAB] =	sst s5  }
0xe: {  	[smem:$0x3FAC] =	sst s6  }
0xf: {  	[smem:$0x3FAD] =	sst s7  }
0x10: {  	[smem:$0x3FAE] =	sst s8  }
0x11: {  	[smem:$0x3FAF] =	sst s9;
	s0 =	simm.s32 @!p0 $0x0  }
0x12: {  	s1 =	sld [smem:$0x3F95];
	s0 =	simm.s32 @p0 $0x1  }
0x13: {  	[smem:$0x3FB0] =	sst s0;
	s0 =	simm.s32 @!p1 $0x0  }
0x14: {  	s2 =	sld [smem:$0x3F94];
	s0 =	simm.s32 @p1 $0x1  }
0x15: {  	[smem:$0x3FB1] =	sst s0;
	s0 =	simm.s32 @!p2 $0x0  }
0x16: {  	s3 =	sld [smem:$0x3FDB];
	s0 =	simm.s32 @p2 $0x1  }
0x17: {  	s4 =	simm.s32 $0x1BF5;
	[smem:$0x3FB3] =	sst s0  }
0x18: {  	s0 =	sld [smem:$0x3F96];
	_ =	swait.ge [sflag:s4], $0x0  }
0x19: {  	s7 =	sld [smem:$0x3F97]  }
0x1a: {  	s8 =	sadd.s32 $0xFFFFE003, lr  }
0x1b: {  	s9 =	sadd.s32 $0xFFFFFEF7, lr;
	s5 =	simm.s32 $0xFFFFFFFF;
	p2 =	slt.u32 s8, $0xFFFFF086  }
0x1c: {  	p1 =	slt.u32 s9, $0xF7A;
	s5 =	simm.s32 @!p2 $0x0  }
0x1d: {  	s5 =	simm.s32 @p1 $0x1;
	p0 =	seq.s32 s7, s2  }
0x1e: {  	s7 =	smul.u32 @!p0 $0xF7A, s2;
	p2 =	seq.s32 @!p0 s5, $0x0  }
0x1f: {  	s9 =	smul.u32 $0xF7A, s1;
	s8 =	simm.s32 @!p0 $0x1BF5;
	p2 =	por !p2, p0  }
0x20: {  	[sflag:s8] =	ssyncset.s32 @!p0 $0xFFFFF086;
	s6 =	sadd.s32 @!p0 s3, s7;
	s7 =	simm.s32 @!p0 $0x108  }
0x21: {  	s3 =	sadd.s32 s3, s9;
	s6 =	sadd.s32 @!p0 $0x88, s6;
	s7 =	simm.s32 @p2 $0x1082  }
0x22: {  	[simem:s7], [sflag:s8] =	dma.local @!p0 [hbm:s6], $0xF7A  }
0x23: {  	s9 =	sor.u32 $0xD0000000, s2;
	s6 =	simm.s32 $0x108;
	_ =	swait.ge @!p0 [sflag:s8], $0x0  }
0x24: {  	s3 =	sadd.s32 $0x88, s3;
	s6 =	simm.s32 @!p1 $0x1082;
	[sflag:s4] =	ssyncset.s32 $0xFFFFF086  }
0x25: {  	[simem:s6], [sflag:s4] =	dma.local [hbm:s3], $0xF7A  }
0x26: {  	[smem:$0x3F97] =	sst s1;
	(tag) =	ssettag s2;
	_ =	strace s9  }
0x27: {  	s1 =	sld [smem:$0x3FA7]  }
0x28: {  	s2 =	sld [smem:$0x3FA8]  }
0x29: {  	s4 =	sld [smem:$0x3FAA]  }
0x2a: {  	p0 =	seq.s32 s5, $0x0;
	s5 =	sld [smem:$0x3FAB]  }
0x2b: {  	s6 =	sld [smem:$0x3FAC]  }
0x2c: {  	s7 =	sld [smem:$0x3FAD]  }
0x2d: {  	s3 =	simm.s32 $0x108;
	s8 =	sld [smem:$0x3FAE]  }
0x2e: {  	s3 =	simm.s32 @!p0 $0x1082;
	s9 =	sld [smem:$0x3FAF]  }
0x2f: {  	lr =	sadd.s32 s0, s3;
	s0 =	sld [smem:$0x3FA6]  }
0x30: {  	s3 =	sld [smem:$0x3FA9]  }
0x31: {  	[smem:$0x3FB2] =	sst s10  }
0x32: {  	s10 =	sld [smem:$0x3FB0];
	_ =	sdelay $0x3  }
0x33: {  	p0 =	seq.s32 s10, $0x1;
	s10 =	sld [smem:$0x3FB2];
	_ =	sdelay $0x3  }
0x34: {  	[smem:$0x3FB2] =	sst s10  }
0x35: {  	s10 =	sld [smem:$0x3FB1];
	_ =	sdelay $0x3  }
0x36: {  	p1 =	seq.s32 s10, $0x1;
	s10 =	sld [smem:$0x3FB2];
	_ =	sdelay $0x3  }
0x37: {  	[smem:$0x3FB2] =	sst s10  }
0x38: {  	s10 =	sld [smem:$0x3FB3]  }
0x39: {  	_ = 	snop;
	(pc) =	sbr.ind lr, $3  }
0x3a: {  	_ = 	snop  }
0x3b: {  	_ = 	snop  }
0x3c: {  	p2 =	seq.s32 s10, $0x1;
	s10 =	sld [smem:$0x3FB2]  }
0x3d: {  	_ =	shalt  }
0x3e: {  	_ =	shalt  }
0x3f: {  	_ =	shalt  }
0x40: {  	_ =	shalt  }
0x41: {  	_ =	shalt  }
0x42: {  	_ =	shalt  }
0x43: {  	_ =	shalt  }
0x44: {  	_ =	shalt  }
0x45: {  	_ =	shalt  }
0x46: {  	_ =	shalt  }
0x47: {  	_ =	shalt  }
0x48: {  	_ =	shalt  }
0x49: {  	_ =	shalt  }
0x4a: {  	_ =	shalt  }
0x4b: {  	_ =	shalt  }
0x4c: {  	_ =	shalt  }
0x4d: {  	_ =	shalt  }
0x4e: {  	_ =	shalt  }
0x4f: {  	_ =	shalt  }
0x50: {  	_ =	shalt  }
0x51: {  	_ =	shalt  }
0x52: {  	_ =	shalt  }
0x53: {  	_ =	shalt  }
0x54: {  	_ =	shalt  }
0x55: {  	_ =	shalt  }
0x56: {  	_ =	shalt  }
0x57: {  	_ =	shalt  }
0x58: {  	_ =	shalt  }
0x59: {  	_ =	shalt  }
0x5a: {  	_ =	shalt  }
0x5b: {  	_ =	shalt  }
0x5c: {  	_ =	shalt  }
0x5d: {  	_ =	shalt  }
0x5e: {  	_ =	shalt  }
0x5f: {  	_ =	shalt  }
0x60: {  	_ =	shalt  }
0x61: {  	_ =	shalt  }
0x62: {  	_ =	shalt  }
0x63: {  	_ =	shalt  }
0x64: {  	_ =	shalt  }
0x65: {  	_ =	shalt  }
0x66: {  	_ =	shalt  }
0x67: {  	_ =	shalt  }
0x68: {  	_ =	shalt  }
0x69: {  	_ =	shalt  }
0x6a: {  	_ =	shalt  }
0x6b: {  	_ =	shalt  }
0x6c: {  	_ =	shalt  }
0x6d: {  	_ =	shalt  }
0x6e: {  	_ =	shalt  }
0x6f: {  	_ =	shalt  }
0x70: {  	_ =	shalt  }
0x71: {  	_ =	shalt  }
0x72: {  	_ =	shalt  }
0x73: {  	_ =	shalt  }
0x74: {  	_ =	shalt  }
0x75: {  	_ =	shalt  }
0x76: {  	_ =	shalt  }
0x77: {  	_ =	shalt  }
0x78: {  	_ =	shalt  }
0x79: {  	_ =	shalt  }
0x7a: {  	_ =	shalt  }
0x7b: {  	_ =	shalt  }
0x7c: {  	_ =	shalt  }
0x7d: {  	_ =	shalt  }
0x7e: {  	_ =	shalt  }
0x7f: {  	_ =	shalt  }
0x80: {  	_ =	shalt  }
0x81: {  	_ =	shalt  }
0x82: {  	_ =	shalt  }
0x83: {  	_ =	shalt  }
0x84: {  	_ =	shalt  }
0x85: {  	_ =	shalt  }
0x86: {  	_ =	shalt  }
0x87: {  	_ =	shalt  }
.Lfunc_end0:
.L_simem_size_0:
called_computation.1_lowered:
.L_overlay_start_0:
0x88: {  	s2 =	sld [smem:$0x3FD9]  }
0x89: {  	s3 =	sld [smem:$0x3FFE];
	_ =	sdelay $0x1  }
0x8a: {  	s1 =	srdreg.scid  }
0x8b: {  	s0 =	sand.u32 $0x1, s1  }
0x8c: {  	s17 =	sshll.u32 s0, $0xA;
	s2 =	sadd.s32 s3, s2  }
0x8d: {  	s2 =	sadd.s32 s2, s17  }
0x8e: {  	[smem:$0x3FBE] =	sst s2  }
0x8f: {  	_ = 	snop  }
0x90: {  	s2 =	sld [smem:$0x3FC8];
	(tm) =	ssettm $0x1  }
0x91: {  	s18 =	sld [smem:$0x3FFB];
	_ =	sdelay $0x3  }
0x92: {  	_ =	strace s18  }
0x93: {  	s3 =	sld [smem:$0x3FFC];
	_ =	sdelay $0x3  }
0x94: {  	_ =	strace s3  }
0x95: {  	s3 =	sld [smem:$0x3FFD];
	_ =	sdelay $0x3  }
0x96: {  	_ =	strace s3  }
0x97: {  	_ =	strace $0x8FFFFFFF  }
0x98: {  	s19 =	sld [smem:$0x3FDB];
	_ =	sdelay $0x1  }
0x99: {  	s4 =	simm.s32 $_scs_section_size  }
0x9a: {  	s5 =	simm.s32 $_size__tile_overlayer_lowered;
	s6 =	simm.s32 $_tile_overlayer_lowered  }
0x9b: {  	s22 =	simm.s32 $0x1BFF;
	s21 =	sshll.u32 s6, $0x1;
	s3 =	sadd.s32 s4, s19  }
0x9c: {  	s7 =	simm.s32 $0x0;
	s20 =	sshll.u32 s5, $0x1;
	s5 =	sadd.s32 s21, s3  }
0x9d: {  	[timem:s7], [sflag:s22] =	dma.local [hbm:s5], s20  }
0x9e: {  	_ =	swait.ge [sflag:s22], s20  }
0x9f: {  	s4 =	ssub.s32 $0x0, s20;
	[sflag:s22] =	ssyncset.done $0x0  }
0xa0: {  	[sflag:s22] =	ssyncadd.s32 s4;
	_ =	sdelay $0x1  }
0xa1: {  	s23 =	simm.s32 $0x1B8B  }
0xa2: {  	_ =	swait.ge [sflag:s23], $0x1  }
0xa3: {  	[sflag:s23] =	ssyncset.done $0x0  }
0xa4: {  	s25 =	simm.s32 $0x1B8E;
	s24 =	sld [smem:$0x3FFE];
	[sflag:s23] =	ssyncadd.s32 $0xFFFFFFFF  }
0xa5: {  	s26 =	simm.s32 $execute0_lowered;
	[smem:$0x3FD2] =	sst s25  }
0xa6: {  	s5 =	sshll.u32 s26, $0x1;
	_ =	strace $0x80000049;
	[dreg:$0x1] =	wrdreg $0xFFFFFFFF  }
0xa7: {  	s28 =	simm.s32 $_size_execute0_lowered;
	s3 =	sadd.s32 s3, s5;
	[dreg:$0x0] =	wrdreg $0x0  }
0xa8: {  	s5 =	sshll.u32 s28, $0x1;
	[dreg:$0x2] =	wrdreg s3  }
0xa9: {  	[dreg:$0x3] =	wrdreg s5  }
0xaa: {  	[dreg:$0x4] =	wrdreg $0xC0  }
0xab: {  	_ =	task [dreg:s7], $0x5FFFF  }
0xac: {  	[dreg:$0x1] =	wrdreg $0xFFFFFFFF  }
0xad: {  	[dreg:$0x0] =	wrdreg $0x60  }
0xae: {  	[dreg:$0x2] =	wrdreg s24  }
0xaf: {  	[dreg:$0x3] =	wrdreg s2  }
0xb0: {  	[dreg:$0x4] =	wrdreg $0x0  }
0xb1: {  	[dreg:$0x5] =	wrdreg $0x9  }
0xb2: {  	_ =	task.clear_ibuf [dreg:s7], $0x6FFFF;
	_ =	strace $0x90000049  }
0xb3: {  	s29 =	simm.s32 $0x9;
	_ =	strace $0x8000004B  }
0xb4: {  	_ =	swait.ge [sflag:s29], $0x1  }
0xb5: {  	[sflag:s29] =	ssyncadd.s32 $0xFFFFFFFF  }
0xb6: {  	_ =	strace $0x9000004B  }
0xb7: {  	_ =	sfence  }
0xb8: {  	s30 =	sld [smem:$0x0];
	_ =	sdelay $0x2  }
0xb9: {  	s31 =	sshll.u32 s1, $0xD;
	s1 =	sshrl.u32 s1, $0x2  }
0xba: {  	s3 =	sand.u32 $0x4000, s31;
	s1 =	sadd.s32 s1, s30  }
0xbb: {  	s0 =	sor.u32 s3, s0;
	s1 =	sshll.u32 s1, $0x11  }
0xbc: {  	s0 =	sor.u32 s1, s0  }
0xbd: {  	s0 =	sadd.s32 $0x8F2B, s0  }
0xbe: {  	[sflag:s0] =	ssyncadd.remote.s32 $0x1  }
0xbf: {  	_ =	sfence.sel $0xFFFF  }
0xc0: {  	[dreg:$0x0] =	wrdreg $0xFFFFFFFF;
	(pc) =	sbr.abs _section_cstart, $3  }
0xc1: {  	[dreg:$0x1] =	wrdreg $0xFFFFFFFF  }
0xc2: {  	_ =	task.clear_ibuf [dreg:s7], $0x2FFFF;
	_ =	strace $0x9FFFFFFF  }
0xc3: {  	(tm) =	ssettm $0x7FFFFFFF  }
tec
execute0_lowered:
.L_overlay_start_1:
0x0: {  	(tag) =	ssettag $0x1  }
0x1: {  	s0 =	rddreg [dreg:$0x0]  }
0x2: {  	s3 =	rddreg [dreg:$0x1]  }
0x3: {  	s1 =	rddreg [dreg:$0x2];
	s2 =	simm.s32 $0x0  }
0x4: {  	s4 =	srdreg.scid;
	s12 =	stileid.u32;
	s28 =	simm.s32 $0x1BB80  }
0x5: {  	s29 =	simm.s32 $0x2;
	s30 =	simm.s32 $0x13900;
	s31 =	simm.s32 $0x13A00  }
0x6: {  	[smem:$0x7FF] =	sst s2;
	s6 =	sand.u32 $0x1, s4;
	s5 =	smul.u32 $0x4E000, s12  }
0x7: {  	s4 =	sadd.s32 $0x2A00, s0;
	s10 =	smul.u32 $0x2700, s12;
	s0 =	sadd.s32 $0x29C00, s0  }
0x8: {  	s13 =	smul.u32 $0x13800, s12;
	s11 =	sadd.s32 $0x138000, s1;
	p0 =	sne.s32 s12, $0x0  }
0x9: {  	p1 =	sne.s32 s12, $0xF;
	s7 =	ssub.s32 $0x2, s6;
	s8 =	smul.u32 $0x27100, s6  }
0xa: {  	s6 =	smul.u32 $0x138800, s6;
	s9 =	sshrl.u32 s7, $0x1;
	s5 =	sshrl.u32 s5, $0x2  }
0xb: {  	_ =	strace $0x8000004A;
	s7 =	ssub.s32 s7, s9;
	s5 =	sadd.s32 s5, s1  }
0xc: {  	s8 =	sadd.s32 s10, s8;
	s21 =	sadd.s32 s13, s6;
	s16 =	sadd.s32 $0x4000, s5  }
0xd: {  	s6 =	sshrl.u32 s6, $0x3;
	s17 =	sadd.s32 $0x8000, s5;
	[dreg:$0x4] =	wrdreg s16  }
0xe: {  	s18 =	sshrl.u32 s8, $0x2;
	s19 =	sadd.s32 $0xC000, s5;
	[dreg:$0x5] =	wrdreg s17  }
0xf: {  	s20 =	sadd.s32 $0x10000, s5;
	s23 =	sadd.s32 $0x100, s8;
	[dreg:$0x6] =	wrdreg s19  }
0x10: {  	s25 =	sor.u32 $0x80, s8;
	[dreg:$0x7] =	wrdreg s20;
	s10 =	sadd.s32 s3, s18  }
0x11: {  	s24 =	sshrl.u32 s23, $0x2;
	s16 =	smax.u32 s7, $0x1;
	s26 =	sshrl.u32 s25, $0x2  }
0x12: {  	s19 =	simm.s32 $0x13B80;
	s20 =	simm.s32 $0x4;
	s23 =	simm.s32 $0x13A80  }
0x13: {  	s25 =	simm.s32 $0x80;
	s9 =	sadd.s32 $0x9C0, s10;
	s22 =	sadd.s32 $0x9E0, s10  }
0x14: {  	s17 =	sadd.s32 s24, s3;
	s18 =	sadd.s32 s26, s3;
	s24 =	simm.s32 $0x1  }
0x15: {  	s26 =	simm.s32 $0x17B80;
	s3 =	simm.s32 $0x3;
	[dreg:$0x8] =	wrdreg s9  }
0x16: {  	[dreg:$0x9] =	wrdreg s22;
	s9 =	sshrl.u32 s21, $0x3;
	s21 =	simm.s32 $0x13880  }
0x17: {  	s22 =	simm.s32 $0x13980;
	s14 =	sadd.s32 s0, s9;
	s0 =	sadd.s32 s0, s6  }
0x18: {  	v0 =	vimm.f32 $0.0e+00;
	s6 =	simm.s32 $0x0;
	s15 =	sadd.s32 $0x27000, s0;
	s0 =	simm.s32 $0x13B00  }
.LBB2_1:
0x19: {  	s7 =	simm.s32 $0x0;
	s8 =	simm.s32 $0x200  }
.LBB2_2:
0x1a: {  	p2 =	sne.s32 s8, $0xFE00;
	[tilespmem:s7+$0x13BF0] =	vst v0  }
0x1b: {  	[tilespmem:s7+$0x13B80] =	vst v0  }
0x1c: {  	[tilespmem:s7+$0x13B90] =	vst v0  }
.Ltmp0:
0x1d: {  	[tilespmem:s7+$0x13BA0] =	vst v0;
	(pc) =	sbr.rel @p2 .LBB2_2-.Ltmp0, $4  }
0x1e: {  	[tilespmem:s7+$0x13BB0] =	vst v0  }
0x1f: {  	[tilespmem:s7+$0x13BC0] =	vst v0  }
0x20: {  	[tilespmem:s7+$0x13BD0] =	vst v0  }
0x21: {  	[tilespmem:s7+$0x13BE0] =	vst v0;
	s7 =	sshra.s32 s8, $0x2;
	s8 =	sadd.s32 $0x200, s8  }
0x22: {  	[tilespmem:s7+$0x13BF0] =	vst v0  }
0x23: {  	[tilespmem:s7+$0x13B80] =	vst v0  }
0x24: {  	[tilespmem:s7+$0x13B90] =	vst v0  }
0x25: {  	[tilespmem:s7+$0x13BA0] =	vst v0  }
0x26: {  	[tilespmem:s7+$0x13BB0] =	vst v0  }
0x27: {  	[tilespmem:s7+$0x13BC0] =	vst v0  }
0x28: {  	[tilespmem:s7+$0x13BD0] =	vst v0  }
0x29: {  	[tilespmem:s7+$0x13BE0] =	vst v0  }
0x2a: {  	[spmem:s5] =	stream.linear.scatter [tilespmem:s19], [sflag:$0x4], $0x4000, $0x38;
	[tilespmem:$0x1FB80] =	vst v63  }
0x2b: {  	_ =	swait.ge [sflag:s20], $0x4000  }
0x2c: {  	[sflag:s20] =	ssyncset.done $0x0  }
0x2d: {  	s9 =	rddreg [dreg:$0x4];
	[sflag:s20] =	ssyncadd.s32 $0xFFFFC000  }
0x2e: {  	[spmem:s9] =	stream.linear.scatter [tilespmem:s19], [sflag:$0x4], $0x4000, $0x38;
	[tilespmem:$0x1FB80] =	vst v63  }
0x2f: {  	_ =	swait.ge [sflag:s20], $0x4000  }
0x30: {  	[sflag:s20] =	ssyncset.done $0x0  }
0x31: {  	s12 =	rddreg [dreg:$0x5];
	[sflag:s20] =	ssyncadd.s32 $0xFFFFC000  }
0x32: {  	[spmem:s12] =	stream.linear.scatter [tilespmem:s19], [sflag:$0x4], $0x4000, $0x38;
	[tilespmem:$0x1FB80] =	vst v63  }
0x33: {  	_ =	swait.ge [sflag:s20], $0x4000  }
0x34: {  	[sflag:s20] =	ssyncset.done $0x0  }
0x35: {  	s13 =	rddreg [dreg:$0x6];
	[sflag:s20] =	ssyncadd.s32 $0xFFFFC000  }
0x36: {  	[spmem:s13] =	stream.linear.scatter [tilespmem:s19], [sflag:$0x4], $0x4000, $0x38;
	[tilespmem:$0x1FB80] =	vst v63  }
0x37: {  	_ =	swait.ge [sflag:s20], $0x4000  }
0x38: {  	[sflag:s20] =	ssyncset.done $0x0  }
0x39: {  	s8 =	rddreg [dreg:$0x7];
	[sflag:s20] =	ssyncadd.s32 $0xFFFFC000  }
0x3a: {  	[spmem:s8] =	stream.linear.scatter [tilespmem:s19], [sflag:$0x4], $0x3800, $0x38;
	[tilespmem:$0x1FB80] =	vst v63  }
0x3b: {  	_ =	swait.ge [sflag:s20], $0x3800  }
0x3c: {  	[sflag:s20] =	ssyncset.done $0x0  }
0x3d: {  	s7 =	simm.s32 @!p0 $0x13B80;
	[sflag:s20] =	ssyncadd.s32 $0xFFFFC800  }
0x3e: {  	[spmem:s11] =	stream.linear.scatter @!p0 [tilespmem:s7], [sflag:$0x4], $0x800, $0x38;
	[tilespmem:$0x1FB80] =	vst v63  }
0x3f: {  	s7 =	simm.s32 @!p0 $0x4  }
0x40: {  	_ =	swait.ge @!p0 [sflag:s7], $0x800  }
0x41: {  	[sflag:s7] =	ssyncset.done @!p0 $0x0  }
0x42: {  	[sflag:s7] =	ssyncadd.s32 @!p0 $0xFFFFF800  }
0x43: {  	s9 =	sadd.s32 $0x0, s10;
	[bflag:$0x0] =	sbarrier.arrive $0xFFFF  }
0x44: {  	[tilespmem:s21], [sflag:$0x1] =	stream.linear.gather [hbm4b:s9+s2], $0x100, $0x38;
	[tilespmem:$0x1FB80] =	vst v63  }
0x45: {  	s12 =	sadd.s32 $0x0, s18  }
0x46: {  	[tilespmem:s22], [sflag:$0x1] =	stream.linear.gather [hbm4b:s12+s2], $0x100, $0x38;
	[tilespmem:$0x1FB80] =	vst v63  }
0x47: {  	s13 =	sadd.s32 $0x0, s17  }
0x48: {  	[tilespmem:s23], [sflag:$0x1] =	stream.linear.gather [hbm4b:s13+s2], $0x100, $0x38;
	[tilespmem:$0x1FB80] =	vst v63  }
0x49: {  	_ =	swait.ge [sflag:s24], $0x100  }
0x4a: {  	[sflag:s24] =	ssyncset.done $0x0  }
0x4b: {  	[sflag:s24] =	ssyncadd.s32 $0xFFFFFF00  }
0x4c: {  	[tilespmem:s19], [sflag:$0x2] =	stream.indirect.gather [hbm4b:s4+s25], $0x80, s21, s25, $0xb8;
	[tilespmem:$0x1FB80] =	vst v63  }
0x4d: {  	_ =	swait.ge [sflag:s24], $0x100  }
0x4e: {  	[sflag:s24] =	ssyncset.done $0x0  }
0x4f: {  	[sflag:s24] =	ssyncadd.s32 $0xFFFFFF00  }
0x50: {  	[tilespmem:s26], [sflag:$0x2] =	stream.indirect.gather [hbm4b:s4+s25], $0x80, s22, s25, $0xb8;
	[tilespmem:$0x1FB80] =	vst v63  }
0x51: {  	_ =	swait.ge [sflag:s24], $0x100  }
0x52: {  	[sflag:s24] =	ssyncset.done $0x0  }
0x53: {  	[sflag:s24] =	ssyncadd.s32 $0xFFFFFF00  }
0x54: {  	[tilespmem:s28], [sflag:$0x2] =	stream.indirect.gather [hbm4b:s4+s25], $0x80, s23, s25, $0xb8;
	[tilespmem:$0x1FB80] =	vst v63  }
0x55: {  	_ =	swait.ge [sflag:s29], $0x4000  }
0x56: {  	[sflag:s29] =	ssyncset.done $0x0  }
0x57: {  	[sflag:s29] =	ssyncadd.s32 $0xFFFFC000  }
0x58: {  	[spmem:s1] =	stream.indirect.scatter.add.f32 [tilespmem:s19], [sflag:$0x3], $0x80, s30, s25, $0xb8;
	[tilespmem:$0x1FB80] =	vst v63  }
0x59: {  	_ =	swait.ge [sflag:s29], $0x4000  }
0x5a: {  	[sflag:s29] =	ssyncset.done $0x0  }
0x5b: {  	[sflag:s29] =	ssyncadd.s32 $0xFFFFC000  }
0x5c: {  	[spmem:s1] =	stream.indirect.scatter.add.f32 [tilespmem:s26], [sflag:$0x3], $0x80, s31, s25, $0xb8;
	[tilespmem:$0x1FB80] =	vst v63  }
0x5d: {  	_ =	swait.ge [sflag:s29], $0x4000  }
0x5e: {  	[sflag:s29] =	ssyncset.done $0x0  }
0x5f: {  	[sflag:s29] =	ssyncadd.s32 $0xFFFFC000  }
0x60: {  	[spmem:s1] =	stream.indirect.scatter.add.f32 [tilespmem:s28], [sflag:$0x3], $0x80, s0, s25, $0xb8;
	[tilespmem:$0x1FB80] =	vst v63  }
0x61: {  	_ =	swait.ge [sflag:s3], $0x4000  }
0x62: {  	[sflag:s3] =	ssyncset.done $0x0  }
0x63: {  	[sflag:s3] =	ssyncadd.s32 $0xFFFFC000  }
0x64: {  	_ =	swait.ge [sflag:s3], $0x4000  }
0x65: {  	[sflag:s3] =	ssyncset.done $0x0  }
0x66: {  	[sflag:s3] =	ssyncadd.s32 $0xFFFFC000  }
0x67: {  	_ =	swait.ge [sflag:s3], $0x4000  }
0x68: {  	s8 =	simm.s32 $0xC0;
	s7 =	simm.s32 $0x60;
	[sflag:s3] =	ssyncset.done $0x0  }
.LBB2_4:
0x69: {  	s12 =	sadd.s32 s7, s10  }
0x6a: {  	[sflag:s3] =	ssyncadd.s32 $0xFFFFC000;
	s13 =	smov.u32 s8;
	s9 =	sadd.s32 $0x60, s8  }
0x6b: {  	[tilespmem:s21], [sflag:$0x1] =	stream.linear.gather [hbm4b:s12+s2], $0x100, $0x38;
	[tilespmem:$0x1FB80] =	vst v63  }
0x6c: {  	p2 =	sne.s32 s8, $0x960;
	s8 =	sadd.s32 s7, s18  }
0x6d: {  	[tilespmem:s22], [sflag:$0x1] =	stream.linear.gather [hbm4b:s8+s2], $0x100, $0x38;
	[tilespmem:$0x1FB80] =	vst v63  }
0x6e: {  	s8 =	sadd.s32 s7, s17;
	s7 =	smov.u32 s13  }
0x6f: {  	[tilespmem:s23], [sflag:$0x1] =	stream.linear.gather [hbm4b:s8+s2], $0x100, $0x38;
	[tilespmem:$0x1FB80] =	vst v63  }
0x70: {  	_ =	swait.ge [sflag:s24], $0x100  }
0x71: {  	[sflag:s24] =	ssyncset.done $0x0  }
0x72: {  	[sflag:s24] =	ssyncadd.s32 $0xFFFFFF00  }
0x73: {  	[tilespmem:s19], [sflag:$0x2] =	stream.indirect.gather [hbm4b:s4+s25], $0x80, s21, s25, $0xb8;
	[tilespmem:$0x1FB80] =	vst v63  }
0x74: {  	_ =	swait.ge [sflag:s24], $0x100  }
0x75: {  	[sflag:s24] =	ssyncset.done $0x0  }
0x76: {  	[sflag:s24] =	ssyncadd.s32 $0xFFFFFF00  }
0x77: {  	[tilespmem:s26], [sflag:$0x2] =	stream.indirect.gather [hbm4b:s4+s25], $0x80, s22, s25, $0xb8;
	[tilespmem:$0x1FB80] =	vst v63  }
0x78: {  	_ =	swait.ge [sflag:s24], $0x100  }
0x79: {  	[sflag:s24] =	ssyncset.done $0x0  }
0x7a: {  	[sflag:s24] =	ssyncadd.s32 $0xFFFFFF00  }
0x7b: {  	[tilespmem:s28], [sflag:$0x2] =	stream.indirect.gather [hbm4b:s4+s25], $0x80, s23, s25, $0xb8;
	[tilespmem:$0x1FB80] =	vst v63  }
0x7c: {  	_ =	swait.ge [sflag:s29], $0x4000  }
0x7d: {  	[sflag:s29] =	ssyncset.done $0x0  }
0x7e: {  	[sflag:s29] =	ssyncadd.s32 $0xFFFFC000  }
0x7f: {  	[spmem:s1] =	stream.indirect.scatter.add.f32 [tilespmem:s19], [sflag:$0x3], $0x80, s30, s25, $0xb8;
	[tilespmem:$0x1FB80] =	vst v63  }
0x80: {  	_ =	swait.ge [sflag:s29], $0x4000  }
0x81: {  	[sflag:s29] =	ssyncset.done $0x0  }
0x82: {  	[sflag:s29] =	ssyncadd.s32 $0xFFFFC000  }
0x83: {  	[spmem:s1] =	stream.indirect.scatter.add.f32 [tilespmem:s26], [sflag:$0x3], $0x80, s31, s25, $0xb8;
	[tilespmem:$0x1FB80] =	vst v63  }
0x84: {  	_ =	swait.ge [sflag:s29], $0x4000  }
0x85: {  	[sflag:s29] =	ssyncset.done $0x0  }
0x86: {  	[sflag:s29] =	ssyncadd.s32 $0xFFFFC000  }
0x87: {  	[spmem:s1] =	stream.indirect.scatter.add.f32 [tilespmem:s28], [sflag:$0x3], $0x80, s0, s25, $0xb8;
	[tilespmem:$0x1FB80] =	vst v63  }
0x88: {  	_ =	swait.ge [sflag:s3], $0x4000  }
0x89: {  	[sflag:s3] =	ssyncset.done $0x0  }
0x8a: {  	[sflag:s3] =	ssyncadd.s32 $0xFFFFC000  }
.Ltmp1:
0x8b: {  	_ =	swait.ge [sflag:s3], $0x4000;
	(pc) =	sbr.rel @p2 .LBB2_4-.Ltmp1, $4  }
0x8c: {  	[sflag:s3] =	ssyncset.done $0x0  }
0x8d: {  	[sflag:s3] =	ssyncadd.s32 $0xFFFFC000  }
0x8e: {  	_ =	swait.ge [sflag:s3], $0x4000  }
0x8f: {  	s8 =	smov.u32 s9;
	[sflag:s3] =	ssyncset.done $0x0  }
0x90: {  	s8 =	sadd.s32 s7, s10;
	[sflag:s3] =	ssyncadd.s32 $0xFFFFC000  }
0x91: {  	[tilespmem:s21], [sflag:$0x1] =	stream.linear.gather [hbm4b:s8+s2], $0x100, $0x38;
	[tilespmem:$0x1FB80] =	vst v63  }
0x92: {  	s13 =	sadd.s32 s7, s18  }
0x93: {  	[tilespmem:s22], [sflag:$0x1] =	stream.linear.gather [hbm4b:s13+s2], $0x100, $0x38;
	[tilespmem:$0x1FB80] =	vst v63  }
0x94: {  	s9 =	sadd.s32 s7, s17  }
0x95: {  	[tilespmem:s23], [sflag:$0x1] =	stream.linear.gather [hbm4b:s9+s2], $0x100, $0x38;
	[tilespmem:$0x1FB80] =	vst v63  }
0x96: {  	_ =	swait.ge [sflag:s24], $0x100  }
0x97: {  	[sflag:s24] =	ssyncset.done $0x0  }
0x98: {  	[sflag:s24] =	ssyncadd.s32 $0xFFFFFF00  }
0x99: {  	[tilespmem:s19], [sflag:$0x2] =	stream.indirect.gather [hbm4b:s4+s25], $0x80, s21, s25, $0xb8;
	[tilespmem:$0x1FB80] =	vst v63  }
0x9a: {  	_ =	swait.ge [sflag:s24], $0x100  }
0x9b: {  	[sflag:s24] =	ssyncset.done $0x0  }
0x9c: {  	[sflag:s24] =	ssyncadd.s32 $0xFFFFFF00  }
0x9d: {  	[tilespmem:s26], [sflag:$0x2] =	stream.indirect.gather [hbm4b:s4+s25], $0x80, s22, s25, $0xb8;
	[tilespmem:$0x1FB80] =	vst v63  }
0x9e: {  	_ =	swait.ge [sflag:s24], $0x100  }
0x9f: {  	[sflag:s24] =	ssyncset.done $0x0  }
0xa0: {  	[sflag:s24] =	ssyncadd.s32 $0xFFFFFF00  }
0xa1: {  	[tilespmem:s28], [sflag:$0x2] =	stream.indirect.gather [hbm4b:s4+s25], $0x80, s23, s25, $0xb8;
	[tilespmem:$0x1FB80] =	vst v63  }
0xa2: {  	_ =	swait.ge [sflag:s29], $0x4000  }
0xa3: {  	[sflag:s29] =	ssyncset.done $0x0  }
0xa4: {  	[sflag:s29] =	ssyncadd.s32 $0xFFFFC000  }
0xa5: {  	[spmem:s1] =	stream.indirect.scatter.add.f32 [tilespmem:s19], [sflag:$0x3], $0x80, s30, s25, $0xb8;
	[tilespmem:$0x1FB80] =	vst v63  }
0xa6: {  	_ =	swait.ge [sflag:s29], $0x4000  }
0xa7: {  	[sflag:s29] =	ssyncset.done $0x0  }
0xa8: {  	[sflag:s29] =	ssyncadd.s32 $0xFFFFC000  }
0xa9: {  	[spmem:s1] =	stream.indirect.scatter.add.f32 [tilespmem:s26], [sflag:$0x3], $0x80, s31, s25, $0xb8;
	[tilespmem:$0x1FB80] =	vst v63  }
0xaa: {  	_ =	swait.ge [sflag:s29], $0x4000  }
0xab: {  	[sflag:s29] =	ssyncset.done $0x0  }
0xac: {  	[sflag:s29] =	ssyncadd.s32 $0xFFFFC000  }
0xad: {  	[spmem:s1] =	stream.indirect.scatter.add.f32 [tilespmem:s28], [sflag:$0x3], $0x80, s0, s25, $0xb8;
	[tilespmem:$0x1FB80] =	vst v63  }
0xae: {  	_ =	swait.ge [sflag:s3], $0x4000  }
0xaf: {  	[sflag:s3] =	ssyncset.done $0x0  }
0xb0: {  	[sflag:s3] =	ssyncadd.s32 $0xFFFFC000  }
0xb1: {  	_ =	swait.ge [sflag:s3], $0x4000  }
0xb2: {  	[sflag:s3] =	ssyncset.done $0x0  }
0xb3: {  	[sflag:s3] =	ssyncadd.s32 $0xFFFFC000  }
0xb4: {  	_ =	swait.ge [sflag:s3], $0x4000  }
0xb5: {  	s7 =	simm.s32 @!p1 $0x0;
	[sflag:s3] =	ssyncset.done $0x0  }
0xb6: {  	s8 =	simm.s32 @!p1 $0x13880;
	s9 =	rddreg [dreg:$0x8];
	[sflag:s3] =	ssyncadd.s32 $0xFFFFC000  }
0xb7: {  	[tilespmem:s8], [sflag:$0x1] =	stream.linear.gather @!p1 [hbm4b:s9+s7], $0x100, $0x38;
	[tilespmem:$0x1FB80] =	vst v63  }
0xb8: {  	s12 =	rddreg [dreg:$0x9];
	s9 =	simm.s32 @!p1 $0x13980  }
0xb9: {  	[tilespmem:s9], [sflag:$0x1] =	stream.linear.gather @!p1 [hbm4b:s12+s7], $0x100, $0x38;
	[tilespmem:$0x1FB80] =	vst v63  }
0xba: {  	s7 =	simm.s32 @!p1 $0x1  }
0xbb: {  	_ =	swait.ge @!p1 [sflag:s7], $0x100  }
0xbc: {  	[sflag:s7] =	ssyncset.done @!p1 $0x0  }
0xbd: {  	s13 =	simm.s32 @!p1 $0x13B80;
	s12 =	simm.s32 @!p1 $0x80;
	[sflag:s7] =	ssyncadd.s32 @!p1 $0xFFFFFF00  }
0xbe: {  	[tilespmem:s13], [sflag:$0x2] =	stream.indirect.gather @!p1 [hbm4b:s4+s12], $0x80, s8, s12, $0xb8;
	[tilespmem:$0x1FB80] =	vst v63  }
0xbf: {  	_ =	swait.ge @!p1 [sflag:s7], $0x100  }
0xc0: {  	[sflag:s7] =	ssyncset.done @!p1 $0x0  }
0xc1: {  	s8 =	simm.s32 @!p1 $0x2;
	[sflag:s7] =	ssyncadd.s32 @!p1 $0xFFFFFF00;
	s7 =	simm.s32 @!p1 $0x17B80  }
0xc2: {  	[tilespmem:s7], [sflag:$0x2] =	stream.indirect.gather @!p1 [hbm4b:s4+s12], $0x80, s9, s12, $0xb8;
	[tilespmem:$0x1FB80] =	vst v63  }
0xc3: {  	_ =	swait.ge @!p1 [sflag:s8], $0x4000  }
0xc4: {  	[sflag:s8] =	ssyncset.done @!p1 $0x0  }
0xc5: {  	s9 =	simm.s32 @!p1 $0x13900;
	[sflag:s8] =	ssyncadd.s32 @!p1 $0xFFFFC000  }
0xc6: {  	[spmem:s1] =	stream.indirect.scatter.add.f32 @!p1 [tilespmem:s13], [sflag:$0x3], $0x80, s9, s12, $0xb8;
	[tilespmem:$0x1FB80] =	vst v63  }
0xc7: {  	_ =	swait.ge @!p1 [sflag:s8], $0x4000  }
0xc8: {  	[sflag:s8] =	ssyncset.done @!p1 $0x0  }
0xc9: {  	[sflag:s8] =	ssyncadd.s32 @!p1 $0xFFFFC000;
	s8 =	simm.s32 @!p1 $0x13A00  }
0xca: {  	[spmem:s1] =	stream.indirect.scatter.add.f32 @!p1 [tilespmem:s7], [sflag:$0x3], $0x80, s8, s12, $0xb8;
	[tilespmem:$0x1FB80] =	vst v63  }
0xcb: {  	s7 =	simm.s32 @!p1 $0x3  }
0xcc: {  	_ =	swait.ge @!p1 [sflag:s7], $0x4000  }
0xcd: {  	[sflag:s7] =	ssyncset.done @!p1 $0x0  }
0xce: {  	[sflag:s7] =	ssyncadd.s32 @!p1 $0xFFFFC000  }
0xcf: {  	_ =	swait.ge @!p1 [sflag:s7], $0x4000  }
0xd0: {  	s12 =	stileid.u32;
	[sflag:s7] =	ssyncset.done @!p1 $0x0  }
0xd1: {  	[sflag:s7] =	ssyncadd.s32 @!p1 $0xFFFFC000;
	s7 =	sshll.u32 s12, $0x6  }
0xd2: {  	s13 =	sshrl.u32 s5, $0x3;
	[bflag:$0x0] =	sbarrier.arrive $0xFFFF;
	s7 =	sor.u32 $0x1C04, s7  }
0xd3: {  	[hbm:s14], [sflag:s7] =	dma.local [spmem:s13], $0x2700  }
0xd4: {  	_ =	swait.ge [sflag:s20], $0x2700  }
0xd5: {  	s6 =	sadd.s32 $0x1, s6;
	[sflag:s20] =	ssyncset.done $0x0  }
0xd6: {  	p2 =	sne.s32 s6, s16;
	s8 =	sshrl.u32 @!p0 s11, $0x3;
	[sflag:s20] =	ssyncadd.s32 $0xFFFFD900  }
0xd7: {  	[hbm:s15], [sflag:s7] =	dma.local @!p0 [spmem:s8], $0x100  }
.Ltmp2:
0xd8: {  	_ = 	snop;
	(pc) =	sbr.rel @p2 .LBB2_1-.Ltmp2, $4  }
0xd9: {  	s7 =	simm.s32 @!p0 $0x4  }
0xda: {  	_ =	swait.ge @!p0 [sflag:s7], $0x100  }
0xdb: {  	[sflag:s7] =	ssyncset.done @!p0 $0x0  }
0xdc: {  	[sflag:s7] =	ssyncadd.s32 @!p0 $0xFFFFFF00  }
0xdd: {  	_ =	sfence.sel $0x180000  }
0xde: {  	[bflag:$0x0] =	sbarrier.arrive $0xFFFF  }
0xdf: {  	_ =	strace $0x9000004A  }
0xe0: {  	[bflag:$0x2] =	sbarrier.arrive $0xFFFF  }
0xe1: {  	s0 =	rddreg [dreg:$0x3]  }
0xe2: {  	s0 =	sadd.s32 @!p0 $0x100000, s0  }
0xe3: {  	[sflag:s0] =	ssyncadd.tile.s32 @!p0 $0x1;
	_ =	shalt  }
.Lfunc_end2:
_tile_overlayer_lowered:
.L_overlay_start_2:
0xe4: {  	(tag) =	ssettag $0x2  }
0xe5: {  	s0 =	rddreg [dreg:$0x0];
	s2 =	stileid.u32  }
0xe6: {  	s1 =	rddreg [dreg:$0x1];
	p0 =	sne.s32 s2, $0x0  }
0xe7: {  	s3 =	rddreg [dreg:$0x2];
	[bflag:$0x3] =	sbarrier.arrive $0xFFFF;
	s2 =	simm.s32 @!p0 $0x1C04  }
0xe8: {  	[timem:s3], [sflag:s2] =	dma.local @!p0 [hbm:s0], s1  }
0xe9: {  	s0 =	simm.s32 @!p0 $0x4  }
0xea: {  	_ =	swait.ge @!p0 [sflag:s0], s1  }
0xeb: {  	s1 =	ssub.s32 @!p0 $0x0, s1;
	[sflag:s0] =	ssyncset.done @!p0 $0x0  }
0xec: {  	[sflag:s0] =	ssyncadd.s32 @!p0 s1  }
0xed: {  	[bflag:$0x3] =	sbarrier.arrive $0xFFFF  }
0xee: {  	_ =	shalt  }

</sc_bundles>
